<compile_context>
chip_gen: v7x
topology: tpu7x:2x2x1
jax: 0.10.2.dev20260603
libtpu: 0.0.44.dev20260713+nightly
codegen_flags: <defaults>
</compile_context>

<pallas_src>
import jax
import jax.numpy as jnp
from jax import lax
from jax.experimental import pallas as pl
from jax.experimental.pallas import tpu as pltpu
from jax.experimental.pallas import tpu_sc as plsc

VOCAB = 1000000
D = 32
BATCH = 4096
HIST = 50
LANES = 16

NUM_CORES = 2
NUM_SUBCORES = 16
NW = NUM_CORES * NUM_SUBCORES
ROWS_PER_W = BATCH // NW
CHUNK_ROWS = 16
NCHUNKS = ROWS_PER_W // CHUNK_ROWS
CHUNK_PAIRS = CHUNK_ROWS * HIST


def _nbow_kernel(idx_hbm, table_hbm, out_hbm, idx_v, rows_v, out_v, sem_r):
    wid = lax.axis_index("s") * NUM_CORES + lax.axis_index("c")

    def chunk_body(c, carry):
        base_pair = (wid * ROWS_PER_W + c * CHUNK_ROWS) * HIST
        base_row = wid * ROWS_PER_W + c * CHUNK_ROWS

        pltpu.sync_copy(idx_hbm.at[pl.ds(base_pair, CHUNK_PAIRS)], idx_v)
        cp_r = pltpu.async_copy(table_hbm.at[idx_v], rows_v, sem_r)
        cp_r.wait()

        def row_body(i, carry2):
            p0 = i * HIST
            acc0 = jnp.zeros((LANES,), jnp.float32)
            acc1 = jnp.zeros((LANES,), jnp.float32)
            acc2 = jnp.zeros((LANES,), jnp.float32)
            acc3 = jnp.zeros((LANES,), jnp.float32)
            for k in range(0, HIST, 2):
                acc0 = acc0 + rows_v[p0 + k, 0:LANES]
                acc1 = acc1 + rows_v[p0 + k, LANES:2 * LANES]
                acc2 = acc2 + rows_v[p0 + k + 1, 0:LANES]
                acc3 = acc3 + rows_v[p0 + k + 1, LANES:2 * LANES]
            out_v[i, 0:LANES] = acc0 + acc2
            out_v[i, LANES:2 * LANES] = acc1 + acc3
            return carry2
        lax.fori_loop(0, CHUNK_ROWS, row_body, 0)

        pltpu.sync_copy(out_v, out_hbm.at[pl.ds(base_row, CHUNK_ROWS)])
        return carry

    lax.fori_loop(0, NCHUNKS, chunk_body, 0)


TBLK = 16128
NFULL = VOCAB // TBLK
TTAIL = VOCAB - NFULL * TBLK
OBLK = TBLK // 4


def _relayout_main(xref, twref, oref, y2v):
    b = pl.program_id(0)
    lane = lax.broadcasted_iota(jnp.int32, (1, TBLK), 1)
    tw_eff = jnp.where((b == 0) & (lane == 0), 0.0, twref[...])
    y2v[...] = (xref[...] * tw_eff).T
    oref[...] = jnp.concatenate(
        [y2v[pl.Slice(g, OBLK, 4), :] for g in range(4)], axis=1)


def _relayout_tail(pk_in, tailT, twt, out_hbm, y2t, yv, sem):
    del pk_in
    y2t[...] = (tailT[...] * twt[...]).T
    yv[...] = jnp.concatenate(
        [y2t[pl.Slice(g, TTAIL // 4, 4), :] for g in range(4)], axis=1)
    cp = pltpu.make_async_copy(
        yv, out_hbm.at[pl.ds(NFULL * OBLK, TTAIL // 4), :], sem)
    cp.start()
    cp.wait()


def _relayout_table(tT, tw2):
    packed = pl.pallas_call(
        _relayout_main,
        grid=(NFULL,),
        in_specs=[pl.BlockSpec((D, TBLK), lambda b: (0, b)),
                  pl.BlockSpec((1, TBLK), lambda b: (0, b))],
        out_specs=pl.BlockSpec((OBLK, 4 * D), lambda b: (b, 0)),
        out_shape=jax.ShapeDtypeStruct((VOCAB // 4, 4 * D), jnp.float32),
        scratch_shapes=[pltpu.VMEM((TBLK, D), jnp.float32)],
        compiler_params=pltpu.CompilerParams(
            dimension_semantics=("parallel",)),
    )(tT, tw2)
    tail = lax.slice(tT, (0, NFULL * TBLK), (D, VOCAB))
    twt = lax.slice(tw2, (0, NFULL * TBLK), (1, VOCAB))
    return pl.pallas_call(
        _relayout_tail,
        in_specs=[pl.BlockSpec(memory_space=pl.ANY),
                  pl.BlockSpec((D, TTAIL), lambda: (0, 0)),
                  pl.BlockSpec((1, TTAIL), lambda: (0, 0))],
        out_specs=pl.BlockSpec(memory_space=pl.ANY),
        out_shape=jax.ShapeDtypeStruct((VOCAB // 4, 4 * D), jnp.float32),
        input_output_aliases={0: 0},
        scratch_shapes=[
            pltpu.VMEM((TTAIL, D), jnp.float32),
            pltpu.VMEM((TTAIL // 4, 4 * D), jnp.float32),
            pltpu.SemaphoreType.DMA,
        ],
    )(packed, tail, twt)


@jax.jit
def kernel(idxs, table, token_weights):
    idx_flat = idxs.reshape(BATCH * HIST).astype(jnp.int32)
    tw2 = token_weights.reshape(1, VOCAB)
    table_lin = _relayout_table(table.T, tw2).reshape(VOCAB, D)
    mesh = plsc.VectorSubcoreMesh(core_axis_name="c", subcore_axis_name="s")
    f = pl.kernel(
        _nbow_kernel,
        mesh=mesh,
        compiler_params=pltpu.CompilerParams(
            use_tc_tiling_on_sc=False, needs_layout_passes=False),
        out_type=jax.ShapeDtypeStruct((BATCH, D), jnp.float32),
        scratch_types=[
            pltpu.VMEM((CHUNK_PAIRS,), jnp.int32),
            pltpu.VMEM((CHUNK_PAIRS, D), jnp.float32),
            pltpu.VMEM((CHUNK_ROWS, D), jnp.float32),
            pltpu.SemaphoreType.DMA,
        ],
    )
    return f(idx_flat, table_lin)

# --- scband reference (transcript-rebuilt; emitter-appended) ---
"""Pipeline reference for scband-nbowlayer-5660766896357 (READ-ONLY COPY).

The authoritative reference and input builder live on the scoring server;
editing this copy changes nothing except your own understanding.
"""

import jax, jax.numpy as jnp
import numpy as np

VOCAB = 1000000
EMBED_DIM = 32
BATCH = 4096
HIST_LEN = 50
PADDING_IDX = 0


def setup_inputs(seed: int = 0) -> dict:
    key = jax.random.key(seed)
    k1, k2, k3 = jax.random.split(key, 3)
    idxs = jax.random.randint(k1, (BATCH, HIST_LEN), 0, VOCAB, dtype=jnp.int64) if jax.config.jax_enable_x64 else jax.random.randint(k1, (BATCH, HIST_LEN), 0, VOCAB, dtype=jnp.int32)
    table = jax.random.normal(k2, (VOCAB, EMBED_DIM), dtype=jnp.float32) * 0.02
    token_weights = jax.random.uniform(k3, (VOCAB,), dtype=jnp.float32)
    return {"idxs": idxs, "table": table, "token_weights": token_weights}


def reference(idxs, table, token_weights):
    # mask = 1 * (idxs != padding_idx)
    mask = (idxs != PADDING_IDX).astype(jnp.float32)
    # embs = self.embedding(idxs) * mask.unsqueeze(-1)
    embs = jnp.take(table, idxs, axis=0) * mask[..., None]
    # token_weights = self.token_weights[idxs] * mask
    tw = jnp.take(token_weights, idxs, axis=0) * mask
    # einsum('ijk,ij->ik', embs, tw): weighted sum over sequence positions
    return jnp.einsum('ijk,ij->ik', embs, tw)

if __name__ == "__main__":
    import jax
    _d = setup_inputs()
    print(jax.jit(kernel)(*tuple(_d.values())))

</pallas_src>

<mosaic_0001>
#map = affine_map<(d0, d1) -> (0)>
#map1 = affine_map<(d0, d1) -> (0, 0)>
module attributes {stable_mosaic.version = 14 : i64} {
  func.func @_nbow_kernel(%arg0: i32, %arg1: i32, %arg2: memref<204800xi32, #tpu.memory_space<hbm>>, %arg3: memref<1000000x32xf32, #tpu.memory_space<hbm>>, %arg4: memref<4096x32xf32, #tpu.memory_space<hbm>>, %arg5: memref<800xi32, #tpu.memory_space<vmem>>, %arg6: memref<800x32xf32, #tpu.memory_space<vmem>>, %arg7: memref<16x32xf32, #tpu.memory_space<vmem>>, %arg8: memref<!tpu.dma_semaphore, #tpu.memory_space<semaphore_mem>>) attributes {dimension_semantics = [#tpu.dimension_semantics<core_parallel>, #tpu.dimension_semantics<subcore_parallel>], iteration_bounds = array<i64: 2, 16>, scalar_prefetch = 0 : i64, scratch_operands = 4 : i64, tpu.core_type = #tpu.core_type<sc_vector_subcore>, window_params = [{transform_indices = #map}, {transform_indices = #map1}, {transform_indices = #map1}]} {
    %mul3A = arith.constant 2 : i32
    %mul3A_0 = arith.muli %arg1, %mul3A : i32
    %add3A = arith.addi %mul3A_0, %arg0 : i32
    %scan3A = arith.constant 0 : i32
    %scan3A_1 = arith.constant 0 : i32
    %scan3A_2 = arith.constant 8 : i32
    %scan3A_3 = arith.addi %scan3A_1, %scan3A_2 : i32
    %scan3A_4 = arith.constant 1 : i32
    scf.for %scan3A_6 = %scan3A_1 to %scan3A_3 step %scan3A_4  : i32 {
      %mul3A_7 = arith.constant 128 : i32
      %mul3A_8 = arith.muli %add3A, %mul3A_7 : i32
      %mul3A_9 = arith.constant 16 : i32
      %mul3A_10 = arith.muli %scan3A_6, %mul3A_9 : i32
      %add3A_11 = arith.addi %mul3A_8, %mul3A_10 : i32
      %mul3A_12 = arith.constant 50 : i32
      %mul3A_13 = arith.muli %add3A_11, %mul3A_12 : i32
      %mul3A_14 = arith.constant 128 : i32
      %mul3A_15 = arith.muli %add3A, %mul3A_14 : i32
      %mul3A_16 = arith.constant 16 : i32
      %mul3A_17 = arith.muli %scan3A_6, %mul3A_16 : i32
      %add3A_18 = arith.addi %mul3A_15, %mul3A_17 : i32
      "tpu.region"() ({
        %run_scoped3A = tpu.sem_alloc : memref<!tpu.dma_semaphore, #tpu.memory_space<semaphore_mem>>
        %dma_start3A_29 = tpu.memref_slice %arg2[%mul3A_13] : memref<204800xi32, #tpu.memory_space<hbm>> -> memref<800xi32, #tpu.memory_space<hbm>>
        %dma_start3A_30 = tpu.memref_slice %arg2[%mul3A_13] : memref<204800xi32, #tpu.memory_space<hbm>> -> memref<800xi32, #tpu.memory_space<hbm>>
        tpu.enqueue_dma source(%dma_start3A_30 : memref<800xi32, #tpu.memory_space<hbm>>) target(%arg5 : memref<800xi32, #tpu.memory_space<vmem>>) target_semaphore(%run_scoped3A : memref<!tpu.dma_semaphore, #tpu.memory_space<semaphore_mem>>)
        %dma_wait3A_31 = tpu.memref_slice %arg2[%mul3A_13] : memref<204800xi32, #tpu.memory_space<hbm>> -> memref<800xi32, #tpu.memory_space<hbm>>
        %dma_wait3A_32 = tpu.memref_slice %arg2[%mul3A_13] : memref<204800xi32, #tpu.memory_space<hbm>> -> memref<800xi32, #tpu.memory_space<hbm>>
        tpu.wait_dma2 semaphore(%run_scoped3A : memref<!tpu.dma_semaphore, #tpu.memory_space<semaphore_mem>>) src(%dma_wait3A_32 : memref<800xi32, #tpu.memory_space<hbm>>) dst(%arg5 : memref<800xi32, #tpu.memory_space<vmem>>)
        tpu.yield
      }) : () -> ()
      %dma_start3A = arith.constant 0 : i32
      %dma_start3A_19 = arith.constant 0 : i32
      %dma_start3A_20 = tpu.memref_slice %arg3[%dma_start3A, %dma_start3A_19] : memref<1000000x32xf32, #tpu.memory_space<hbm>> -> memref<1000000x32xf32, #tpu.memory_space<hbm>>
      tpu.enqueue_indirect_dma source(%dma_start3A_20 : memref<1000000x32xf32, #tpu.memory_space<hbm>>) target(%arg6 : memref<800x32xf32, #tpu.memory_space<vmem>>) offsets(%arg5 : memref<800xi32, #tpu.memory_space<vmem>>) semaphore(%arg8 : memref<!tpu.dma_semaphore, #tpu.memory_space<semaphore_mem>>)
      %dma_wait3A = arith.constant 0 : i32
      %dma_wait3A_21 = arith.constant 0 : i32
      %dma_wait3A_22 = tpu.memref_slice %arg3[%dma_wait3A, %dma_wait3A_21] : memref<1000000x32xf32, #tpu.memory_space<hbm>> -> memref<1000000x32xf32, #tpu.memory_space<hbm>>
      tpu.wait_indirect_dma semaphore(%arg8 : memref<!tpu.dma_semaphore, #tpu.memory_space<semaphore_mem>>) src(%dma_wait3A_22 : memref<1000000x32xf32, #tpu.memory_space<hbm>>) dst(%arg6 : memref<800x32xf32, #tpu.memory_space<vmem>>)
      %scan3A_23 = arith.constant 0 : i32
      %scan3A_24 = arith.constant 0 : i32
      %scan3A_25 = arith.constant 16 : i32
      %scan3A_26 = arith.addi %scan3A_24, %scan3A_25 : i32
      %scan3A_27 = arith.constant 1 : i32
      scf.for %scan3A_29 = %scan3A_24 to %scan3A_26 step %scan3A_27  : i32 {
        %mul3A_30 = arith.constant 50 : i32
        %mul3A_31 = arith.muli %scan3A_29, %mul3A_30 : i32
        %broadcast_in_dim3A = arith.constant 0.000000e+00 : f32
        %broadcast_in_dim3A_32 = vector.broadcast %broadcast_in_dim3A : f32 to vector<16xf32>
        %broadcast_in_dim3A_33 = arith.constant 0.000000e+00 : f32
        %broadcast_in_dim3A_34 = vector.broadcast %broadcast_in_dim3A_33 : f32 to vector<16xf32>
        %broadcast_in_dim3A_35 = arith.constant 0.000000e+00 : f32
        %broadcast_in_dim3A_36 = vector.broadcast %broadcast_in_dim3A_35 : f32 to vector<16xf32>
        %broadcast_in_dim3A_37 = arith.constant 0.000000e+00 : f32
        %broadcast_in_dim3A_38 = vector.broadcast %broadcast_in_dim3A_37 : f32 to vector<16xf32>
        %add3A_39 = arith.constant 0 : i32
        %add3A_40 = arith.addi %mul3A_31, %add3A_39 : i32
        %get3A = arith.index_cast %add3A_40 : i32 to index
        %get3A_41 = arith.constant 0 : index
        %get3A_42 = tpu.vector_load %arg6[%get3A, %get3A_41] {strides = array<i32>} : memref<800x32xf32, #tpu.memory_space<vmem>>, vector<16xf32>,
        %add3A_43 = arith.addf %broadcast_in_dim3A_32, %get3A_42 : vector<16xf32>
        %add3A_44 = arith.constant 0 : i32
        %add3A_45 = arith.addi %mul3A_31, %add3A_44 : i32
        %get3A_46 = arith.index_cast %add3A_45 : i32 to index
        %get3A_47 = arith.constant 16 : index
        %get3A_48 = tpu.vector_load %arg6[%get3A_46, %get3A_47] {strides = array<i32>} : memref<800x32xf32, #tpu.memory_space<vmem>>, vector<16xf32>,
        %add3A_49 = arith.addf %broadcast_in_dim3A_34, %get3A_48 : vector<16xf32>
        %add3A_50 = arith.constant 0 : i32
        %add3A_51 = arith.addi %mul3A_31, %add3A_50 : i32
        %add3A_52 = arith.constant 1 : i32
        %add3A_53 = arith.addi %add3A_51, %add3A_52 : i32
        %get3A_54 = arith.index_cast %add3A_53 : i32 to index
        %get3A_55 = arith.constant 0 : index
        %get3A_56 = tpu.vector_load %arg6[%get3A_54, %get3A_55] {strides = array<i32>} : memref<800x32xf32, #tpu.memory_space<vmem>>, vector<16xf32>,
        %add3A_57 = arith.addf %broadcast_in_dim3A_36, %get3A_56 : vector<16xf32>
        %add3A_58 = arith.constant 0 : i32
        %add3A_59 = arith.addi %mul3A_31, %add3A_58 : i32
        %add3A_60 = arith.constant 1 : i32
        %add3A_61 = arith.addi %add3A_59, %add3A_60 : i32
        %get3A_62 = arith.index_cast %add3A_61 : i32 to index
        %get3A_63 = arith.constant 16 : index
        %get3A_64 = tpu.vector_load %arg6[%get3A_62, %get3A_63] {strides = array<i32>} : memref<800x32xf32, #tpu.memory_space<vmem>>, vector<16xf32>,
        %add3A_65 = arith.addf %broadcast_in_dim3A_38, %get3A_64 : vector<16xf32>
        %add3A_66 = arith.constant 2 : i32
        %add3A_67 = arith.addi %mul3A_31, %add3A_66 : i32
        %get3A_68 = arith.index_cast %add3A_67 : i32 to index
        %get3A_69 = arith.constant 0 : index
        %get3A_70 = tpu.vector_load %arg6[%get3A_68, %get3A_69] {strides = array<i32>} : memref<800x32xf32, #tpu.memory_space<vmem>>, vector<16xf32>,
        %add3A_71 = arith.addf %add3A_43, %get3A_70 : vector<16xf32>
        %add3A_72 = arith.constant 2 : i32
        %add3A_73 = arith.addi %mul3A_31, %add3A_72 : i32
        %get3A_74 = arith.index_cast %add3A_73 : i32 to index
        %get3A_75 = arith.constant 16 : index
        %get3A_76 = tpu.vector_load %arg6[%get3A_74, %get3A_75] {strides = array<i32>} : memref<800x32xf32, #tpu.memory_space<vmem>>, vector<16xf32>,
        %add3A_77 = arith.addf %add3A_49, %get3A_76 : vector<16xf32>
        %add3A_78 = arith.constant 2 : i32
        %add3A_79 = arith.addi %mul3A_31, %add3A_78 : i32
        %add3A_80 = arith.constant 1 : i32
        %add3A_81 = arith.addi %add3A_79, %add3A_80 : i32
        %get3A_82 = arith.index_cast %add3A_81 : i32 to index
        %get3A_83 = arith.constant 0 : index
        %get3A_84 = tpu.vector_load %arg6[%get3A_82, %get3A_83] {strides = array<i32>} : memref<800x32xf32, #tpu.memory_space<vmem>>, vector<16xf32>,
        %add3A_85 = arith.addf %add3A_57, %get3A_84 : vector<16xf32>
        %add3A_86 = arith.constant 2 : i32
        %add3A_87 = arith.addi %mul3A_31, %add3A_86 : i32
        %add3A_88 = arith.constant 1 : i32
        %add3A_89 = arith.addi %add3A_87, %add3A_88 : i32
        %get3A_90 = arith.index_cast %add3A_89 : i32 to index
        %get3A_91 = arith.constant 16 : index
        %get3A_92 = tpu.vector_load %arg6[%get3A_90, %get3A_91] {strides = array<i32>} : memref<800x32xf32, #tpu.memory_space<vmem>>, vector<16xf32>,
        %add3A_93 = arith.addf %add3A_65, %get3A_92 : vector<16xf32>
        %add3A_94 = arith.constant 4 : i32
        %add3A_95 = arith.addi %mul3A_31, %add3A_94 : i32
        %get3A_96 = arith.index_cast %add3A_95 : i32 to index
        %get3A_97 = arith.constant 0 : index
        %get3A_98 = tpu.vector_load %arg6[%get3A_96, %get3A_97] {strides = array<i32>} : memref<800x32xf32, #tpu.memory_space<vmem>>, vector<16xf32>,
        %add3A_99 = arith.addf %add3A_71, %get3A_98 : vector<16xf32>
        %add3A_100 = arith.constant 4 : i32
        %add3A_101 = arith.addi %mul3A_31, %add3A_100 : i32
        %get3A_102 = arith.index_cast %add3A_101 : i32 to index
        %get3A_103 = arith.constant 16 : index
        %get3A_104 = tpu.vector_load %arg6[%get3A_102, %get3A_103] {strides = array<i32>} : memref<800x32xf32, #tpu.memory_space<vmem>>, vector<16xf32>,
        %add3A_105 = arith.addf %add3A_77, %get3A_104 : vector<16xf32>
        %add3A_106 = arith.constant 4 : i32
        %add3A_107 = arith.addi %mul3A_31, %add3A_106 : i32
        %add3A_108 = arith.constant 1 : i32
        %add3A_109 = arith.addi %add3A_107, %add3A_108 : i32
        %get3A_110 = arith.index_cast %add3A_109 : i32 to index
        %get3A_111 = arith.constant 0 : index
        %get3A_112 = tpu.vector_load %arg6[%get3A_110, %get3A_111] {strides = array<i32>} : memref<800x32xf32, #tpu.memory_space<vmem>>, vector<16xf32>,
        %add3A_113 = arith.addf %add3A_85, %get3A_112 : vector<16xf32>
        %add3A_114 = arith.constant 4 : i32
        %add3A_115 = arith.addi %mul3A_31, %add3A_114 : i32
        %add3A_116 = arith.constant 1 : i32
        %add3A_117 = arith.addi %add3A_115, %add3A_116 : i32
        %get3A_118 = arith.index_cast %add3A_117 : i32 to index
        %get3A_119 = arith.constant 16 : index
        %get3A_120 = tpu.vector_load %arg6[%get3A_118, %get3A_119] {strides = array<i32>} : memref<800x32xf32, #tpu.memory_space<vmem>>, vector<16xf32>,
        %add3A_121 = arith.addf %add3A_93, %get3A_120 : vector<16xf32>
        %add3A_122 = arith.constant 6 : i32
        %add3A_123 = arith.addi %mul3A_31, %add3A_122 : i32
        %get3A_124 = arith.index_cast %add3A_123 : i32 to index
        %get3A_125 = arith.constant 0 : index
        %get3A_126 = tpu.vector_load %arg6[%get3A_124, %get3A_125] {strides = array<i32>} : memref<800x32xf32, #tpu.memory_space<vmem>>, vector<16xf32>,
        %add3A_127 = arith.addf %add3A_99, %get3A_126 : vector<16xf32>
        %add3A_128 = arith.constant 6 : i32
        %add3A_129 = arith.addi %mul3A_31, %add3A_128 : i32
        %get3A_130 = arith.index_cast %add3A_129 : i32 to index
        %get3A_131 = arith.constant 16 : index
        %get3A_132 = tpu.vector_load %arg6[%get3A_130, %get3A_131] {strides = array<i32>} : memref<800x32xf32, #tpu.memory_space<vmem>>, vector<16xf32>,
        %add3A_133 = arith.addf %add3A_105, %get3A_132 : vector<16xf32>
        %add3A_134 = arith.constant 6 : i32
        %add3A_135 = arith.addi %mul3A_31, %add3A_134 : i32
        %add3A_136 = arith.constant 1 : i32
        %add3A_137 = arith.addi %add3A_135, %add3A_136 : i32
        %get3A_138 = arith.index_cast %add3A_137 : i32 to index
        %get3A_139 = arith.constant 0 : index
        %get3A_140 = tpu.vector_load %arg6[%get3A_138, %get3A_139] {strides = array<i32>} : memref<800x32xf32, #tpu.memory_space<vmem>>, vector<16xf32>,
        %add3A_141 = arith.addf %add3A_113, %get3A_140 : vector<16xf32>
        %add3A_142 = arith.constant 6 : i32
        %add3A_143 = arith.addi %mul3A_31, %add3A_142 : i32
        %add3A_144 = arith.constant 1 : i32
        %add3A_145 = arith.addi %add3A_143, %add3A_144 : i32
        %get3A_146 = arith.index_cast %add3A_145 : i32 to index
        %get3A_147 = arith.constant 16 : index
        %get3A_148 = tpu.vector_load %arg6[%get3A_146, %get3A_147] {strides = array<i32>} : memref<800x32xf32, #tpu.memory_space<vmem>>, vector<16xf32>,
        %add3A_149 = arith.addf %add3A_121, %get3A_148 : vector<16xf32>
        %add3A_150 = arith.constant 8 : i32
        %add3A_151 = arith.addi %mul3A_31, %add3A_150 : i32
        %get3A_152 = arith.index_cast %add3A_151 : i32 to index
        %get3A_153 = arith.constant 0 : index
        %get3A_154 = tpu.vector_load %arg6[%get3A_152, %get3A_153] {strides = array<i32>} : memref<800x32xf32, #tpu.memory_space<vmem>>, vector<16xf32>,
        %add3A_155 = arith.addf %add3A_127, %get3A_154 : vector<16xf32>
        %add3A_156 = arith.constant 8 : i32
        %add3A_157 = arith.addi %mul3A_31, %add3A_156 : i32
        %get3A_158 = arith.index_cast %add3A_157 : i32 to index
        %get3A_159 = arith.constant 16 : index
        %get3A_160 = tpu.vector_load %arg6[%get3A_158, %get3A_159] {strides = array<i32>} : memref<800x32xf32, #tpu.memory_space<vmem>>, vector<16xf32>,
        %add3A_161 = arith.addf %add3A_133, %get3A_160 : vector<16xf32>
        %add3A_162 = arith.constant 8 : i32
        %add3A_163 = arith.addi %mul3A_31, %add3A_162 : i32
        %add3A_164 = arith.constant 1 : i32
        %add3A_165 = arith.addi %add3A_163, %add3A_164 : i32
        %get3A_166 = arith.index_cast %add3A_165 : i32 to index
        %get3A_167 = arith.constant 0 : index
        %get3A_168 = tpu.vector_load %arg6[%get3A_166, %get3A_167] {strides = array<i32>} : memref<800x32xf32, #tpu.memory_space<vmem>>, vector<16xf32>,
        %add3A_169 = arith.addf %add3A_141, %get3A_168 : vector<16xf32>
        %add3A_170 = arith.constant 8 : i32
        %add3A_171 = arith.addi %mul3A_31, %add3A_170 : i32
        %add3A_172 = arith.constant 1 : i32
        %add3A_173 = arith.addi %add3A_171, %add3A_172 : i32
        %get3A_174 = arith.index_cast %add3A_173 : i32 to index
        %get3A_175 = arith.constant 16 : index
        %get3A_176 = tpu.vector_load %arg6[%get3A_174, %get3A_175] {strides = array<i32>} : memref<800x32xf32, #tpu.memory_space<vmem>>, vector<16xf32>,
        %add3A_177 = arith.addf %add3A_149, %get3A_176 : vector<16xf32>
        %add3A_178 = arith.constant 10 : i32
        %add3A_179 = arith.addi %mul3A_31, %add3A_178 : i32
        %get3A_180 = arith.index_cast %add3A_179 : i32 to index
        %get3A_181 = arith.constant 0 : index
        %get3A_182 = tpu.vector_load %arg6[%get3A_180, %get3A_181] {strides = array<i32>} : memref<800x32xf32, #tpu.memory_space<vmem>>, vector<16xf32>,
        %add3A_183 = arith.addf %add3A_155, %get3A_182 : vector<16xf32>
        %add3A_184 = arith.constant 10 : i32
        %add3A_185 = arith.addi %mul3A_31, %add3A_184 : i32
        %get3A_186 = arith.index_cast %add3A_185 : i32 to index
        %get3A_187 = arith.constant 16 : index
        %get3A_188 = tpu.vector_load %arg6[%get3A_186, %get3A_187] {strides = array<i32>} : memref<800x32xf32, #tpu.memory_space<vmem>>, vector<16xf32>,
        %add3A_189 = arith.addf %add3A_161, %get3A_188 : vector<16xf32>
        %add3A_190 = arith.constant 10 : i32
        %add3A_191 = arith.addi %mul3A_31, %add3A_190 : i32
        %add3A_192 = arith.constant 1 : i32
        %add3A_193 = arith.addi %add3A_191, %add3A_192 : i32
        %get3A_194 = arith.index_cast %add3A_193 : i32 to index
        %get3A_195 = arith.constant 0 : index
        %get3A_196 = tpu.vector_load %arg6[%get3A_194, %get3A_195] {strides = array<i32>} : memref<800x32xf32, #tpu.memory_space<vmem>>, vector<16xf32>,
        %add3A_197 = arith.addf %add3A_169, %get3A_196 : vector<16xf32>
        %add3A_198 = arith.constant 10 : i32
        %add3A_199 = arith.addi %mul3A_31, %add3A_198 : i32
        %add3A_200 = arith.constant 1 : i32
        %add3A_201 = arith.addi %add3A_199, %add3A_200 : i32
        %get3A_202 = arith.index_cast %add3A_201 : i32 to index
        %get3A_203 = arith.constant 16 : index
        %get3A_204 = tpu.vector_load %arg6[%get3A_202, %get3A_203] {strides = array<i32>} : memref<800x32xf32, #tpu.memory_space<vmem>>, vector<16xf32>,
        %add3A_205 = arith.addf %add3A_177, %get3A_204 : vector<16xf32>
        %add3A_206 = arith.constant 12 : i32
        %add3A_207 = arith.addi %mul3A_31, %add3A_206 : i32
        %get3A_208 = arith.index_cast %add3A_207 : i32 to index
        %get3A_209 = arith.constant 0 : index
        %get3A_210 = tpu.vector_load %arg6[%get3A_208, %get3A_209] {strides = array<i32>} : memref<800x32xf32, #tpu.memory_space<vmem>>, vector<16xf32>,
        %add3A_211 = arith.addf %add3A_183, %get3A_210 : vector<16xf32>
        %add3A_212 = arith.constant 12 : i32
        %add3A_213 = arith.addi %mul3A_31, %add3A_212 : i32
        %get3A_214 = arith.index_cast %add3A_213 : i32 to index
        %get3A_215 = arith.constant 16 : index
        %get3A_216 = tpu.vector_load %arg6[%get3A_214, %get3A_215] {strides = array<i32>} : memref<800x32xf32, #tpu.memory_space<vmem>>, vector<16xf32>,
        %add3A_217 = arith.addf %add3A_189, %get3A_216 : vector<16xf32>
        %add3A_218 = arith.constant 12 : i32
        %add3A_219 = arith.addi %mul3A_31, %add3A_218 : i32
        %add3A_220 = arith.constant 1 : i32
        %add3A_221 = arith.addi %add3A_219, %add3A_220 : i32
        %get3A_222 = arith.index_cast %add3A_221 : i32 to index
        %get3A_223 = arith.constant 0 : index
        %get3A_224 = tpu.vector_load %arg6[%get3A_222, %get3A_223] {strides = array<i32>} : memref<800x32xf32, #tpu.memory_space<vmem>>, vector<16xf32>,
        %add3A_225 = arith.addf %add3A_197, %get3A_224 : vector<16xf32>
        %add3A_226 = arith.constant 12 : i32
        %add3A_227 = arith.addi %mul3A_31, %add3A_226 : i32
        %add3A_228 = arith.constant 1 : i32
        %add3A_229 = arith.addi %add3A_227, %add3A_228 : i32
        %get3A_230 = arith.index_cast %add3A_229 : i32 to index
        %get3A_231 = arith.constant 16 : index
        %get3A_232 = tpu.vector_load %arg6[%get3A_230, %get3A_231] {strides = array<i32>} : memref<800x32xf32, #tpu.memory_space<vmem>>, vector<16xf32>,
        %add3A_233 = arith.addf %add3A_205, %get3A_232 : vector<16xf32>
        %add3A_234 = arith.constant 14 : i32
        %add3A_235 = arith.addi %mul3A_31, %add3A_234 : i32
        %get3A_236 = arith.index_cast %add3A_235 : i32 to index
        %get3A_237 = arith.constant 0 : index
        %get3A_238 = tpu.vector_load %arg6[%get3A_236, %get3A_237] {strides = array<i32>} : memref<800x32xf32, #tpu.memory_space<vmem>>, vector<16xf32>,
        %add3A_239 = arith.addf %add3A_211, %get3A_238 : vector<16xf32>
        %add3A_240 = arith.constant 14 : i32
        %add3A_241 = arith.addi %mul3A_31, %add3A_240 : i32
        %get3A_242 = arith.index_cast %add3A_241 : i32 to index
        %get3A_243 = arith.constant 16 : index
        %get3A_244 = tpu.vector_load %arg6[%get3A_242, %get3A_243] {strides = array<i32>} : memref<800x32xf32, #tpu.memory_space<vmem>>, vector<16xf32>,
        %add3A_245 = arith.addf %add3A_217, %get3A_244 : vector<16xf32>
        %add3A_246 = arith.constant 14 : i32
        %add3A_247 = arith.addi %mul3A_31, %add3A_246 : i32
        %add3A_248 = arith.constant 1 : i32
        %add3A_249 = arith.addi %add3A_247, %add3A_248 : i32
        %get3A_250 = arith.index_cast %add3A_249 : i32 to index
        %get3A_251 = arith.constant 0 : index
        %get3A_252 = tpu.vector_load %arg6[%get3A_250, %get3A_251] {strides = array<i32>} : memref<800x32xf32, #tpu.memory_space<vmem>>, vector<16xf32>,
        %add3A_253 = arith.addf %add3A_225, %get3A_252 : vector<16xf32>
        %add3A_254 = arith.constant 14 : i32
        %add3A_255 = arith.addi %mul3A_31, %add3A_254 : i32
        %add3A_256 = arith.constant 1 : i32
        %add3A_257 = arith.addi %add3A_255, %add3A_256 : i32
        %get3A_258 = arith.index_cast %add3A_257 : i32 to index
        %get3A_259 = arith.constant 16 : index
        %get3A_260 = tpu.vector_load %arg6[%get3A_258, %get3A_259] {strides = array<i32>} : memref<800x32xf32, #tpu.memory_space<vmem>>, vector<16xf32>,
        %add3A_261 = arith.addf %add3A_233, %get3A_260 : vector<16xf32>
        %add3A_262 = arith.constant 16 : i32
        %add3A_263 = arith.addi %mul3A_31, %add3A_262 : i32
        %get3A_264 = arith.index_cast %add3A_263 : i32 to index
        %get3A_265 = arith.constant 0 : index
        %get3A_266 = tpu.vector_load %arg6[%get3A_264, %get3A_265] {strides = array<i32>} : memref<800x32xf32, #tpu.memory_space<vmem>>, vector<16xf32>,
        %add3A_267 = arith.addf %add3A_239, %get3A_266 : vector<16xf32>
        %add3A_268 = arith.constant 16 : i32
        %add3A_269 = arith.addi %mul3A_31, %add3A_268 : i32
        %get3A_270 = arith.index_cast %add3A_269 : i32 to index
        %get3A_271 = arith.constant 16 : index
        %get3A_272 = tpu.vector_load %arg6[%get3A_270, %get3A_271] {strides = array<i32>} : memref<800x32xf32, #tpu.memory_space<vmem>>, vector<16xf32>,
        %add3A_273 = arith.addf %add3A_245, %get3A_272 : vector<16xf32>
        %add3A_274 = arith.constant 16 : i32
        %add3A_275 = arith.addi %mul3A_31, %add3A_274 : i32
        %add3A_276 = arith.constant 1 : i32
        %add3A_277 = arith.addi %add3A_275, %add3A_276 : i32
        %get3A_278 = arith.index_cast %add3A_277 : i32 to index
        %get3A_279 = arith.constant 0 : index
        %get3A_280 = tpu.vector_load %arg6[%get3A_278, %get3A_279] {strides = array<i32>} : memref<800x32xf32, #tpu.memory_space<vmem>>, vector<16xf32>,
        %add3A_281 = arith.addf %add3A_253, %get3A_280 : vector<16xf32>
        %add3A_282 = arith.constant 16 : i32
        %add3A_283 = arith.addi %mul3A_31, %add3A_282 : i32
        %add3A_284 = arith.constant 1 : i32
        %add3A_285 = arith.addi %add3A_283, %add3A_284 : i32
        %get3A_286 = arith.index_cast %add3A_285 : i32 to index
        %get3A_287 = arith.constant 16 : index
        %get3A_288 = tpu.vector_load %arg6[%get3A_286, %get3A_287] {strides = array<i32>} : memref<800x32xf32, #tpu.memory_space<vmem>>, vector<16xf32>,
        %add3A_289 = arith.addf %add3A_261, %get3A_288 : vector<16xf32>
        %add3A_290 = arith.constant 18 : i32
        %add3A_291 = arith.addi %mul3A_31, %add3A_290 : i32
        %get3A_292 = arith.index_cast %add3A_291 : i32 to index
        %get3A_293 = arith.constant 0 : index
        %get3A_294 = tpu.vector_load %arg6[%get3A_292, %get3A_293] {strides = array<i32>} : memref<800x32xf32, #tpu.memory_space<vmem>>, vector<16xf32>,
        %add3A_295 = arith.addf %add3A_267, %get3A_294 : vector<16xf32>
        %add3A_296 = arith.constant 18 : i32
        %add3A_297 = arith.addi %mul3A_31, %add3A_296 : i32
        %get3A_298 = arith.index_cast %add3A_297 : i32 to index
        %get3A_299 = arith.constant 16 : index
        %get3A_300 = tpu.vector_load %arg6[%get3A_298, %get3A_299] {strides = array<i32>} : memref<800x32xf32, #tpu.memory_space<vmem>>, vector<16xf32>,
        %add3A_301 = arith.addf %add3A_273, %get3A_300 : vector<16xf32>
        %add3A_302 = arith.constant 18 : i32
        %add3A_303 = arith.addi %mul3A_31, %add3A_302 : i32
        %add3A_304 = arith.constant 1 : i32
        %add3A_305 = arith.addi %add3A_303, %add3A_304 : i32
        %get3A_306 = arith.index_cast %add3A_305 : i32 to index
        %get3A_307 = arith.constant 0 : index
        %get3A_308 = tpu.vector_load %arg6[%get3A_306, %get3A_307] {strides = array<i32>} : memref<800x32xf32, #tpu.memory_space<vmem>>, vector<16xf32>,
        %add3A_309 = arith.addf %add3A_281, %get3A_308 : vector<16xf32>
        %add3A_310 = arith.constant 18 : i32
        %add3A_311 = arith.addi %mul3A_31, %add3A_310 : i32
        %add3A_312 = arith.constant 1 : i32
        %add3A_313 = arith.addi %add3A_311, %add3A_312 : i32
        %get3A_314 = arith.index_cast %add3A_313 : i32 to index
        %get3A_315 = arith.constant 16 : index
        %get3A_316 = tpu.vector_load %arg6[%get3A_314, %get3A_315] {strides = array<i32>} : memref<800x32xf32, #tpu.memory_space<vmem>>, vector<16xf32>,
        %add3A_317 = arith.addf %add3A_289, %get3A_316 : vector<16xf32>
        %add3A_318 = arith.constant 20 : i32
        %add3A_319 = arith.addi %mul3A_31, %add3A_318 : i32
        %get3A_320 = arith.index_cast %add3A_319 : i32 to index
        %get3A_321 = arith.constant 0 : index
        %get3A_322 = tpu.vector_load %arg6[%get3A_320, %get3A_321] {strides = array<i32>} : memref<800x32xf32, #tpu.memory_space<vmem>>, vector<16xf32>,
        %add3A_323 = arith.addf %add3A_295, %get3A_322 : vector<16xf32>
        %add3A_324 = arith.constant 20 : i32
        %add3A_325 = arith.addi %mul3A_31, %add3A_324 : i32
        %get3A_326 = arith.index_cast %add3A_325 : i32 to index
        %get3A_327 = arith.constant 16 : index
        %get3A_328 = tpu.vector_load %arg6[%get3A_326, %get3A_327] {strides = array<i32>} : memref<800x32xf32, #tpu.memory_space<vmem>>, vector<16xf32>,
        %add3A_329 = arith.addf %add3A_301, %get3A_328 : vector<16xf32>
        %add3A_330 = arith.constant 20 : i32
        %add3A_331 = arith.addi %mul3A_31, %add3A_330 : i32
        %add3A_332 = arith.constant 1 : i32
        %add3A_333 = arith.addi %add3A_331, %add3A_332 : i32
        %get3A_334 = arith.index_cast %add3A_333 : i32 to index
        %get3A_335 = arith.constant 0 : index
        %get3A_336 = tpu.vector_load %arg6[%get3A_334, %get3A_335] {strides = array<i32>} : memref<800x32xf32, #tpu.memory_space<vmem>>, vector<16xf32>,
        %add3A_337 = arith.addf %add3A_309, %get3A_336 : vector<16xf32>
        %add3A_338 = arith.constant 20 : i32
        %add3A_339 = arith.addi %mul3A_31, %add3A_338 : i32
        %add3A_340 = arith.constant 1 : i32
        %add3A_341 = arith.addi %add3A_339, %add3A_340 : i32
        %get3A_342 = arith.index_cast %add3A_341 : i32 to index
        %get3A_343 = arith.constant 16 : index
        %get3A_344 = tpu.vector_load %arg6[%get3A_342, %get3A_343] {strides = array<i32>} : memref<800x32xf32, #tpu.memory_space<vmem>>, vector<16xf32>,
        %add3A_345 = arith.addf %add3A_317, %get3A_344 : vector<16xf32>
        %add3A_346 = arith.constant 22 : i32
        %add3A_347 = arith.addi %mul3A_31, %add3A_346 : i32
        %get3A_348 = arith.index_cast %add3A_347 : i32 to index
        %get3A_349 = arith.constant 0 : index
        %get3A_350 = tpu.vector_load %arg6[%get3A_348, %get3A_349] {strides = array<i32>} : memref<800x32xf32, #tpu.memory_space<vmem>>, vector<16xf32>,
        %add3A_351 = arith.addf %add3A_323, %get3A_350 : vector<16xf32>
        %add3A_352 = arith.constant 22 : i32
        %add3A_353 = arith.addi %mul3A_31, %add3A_352 : i32
        %get3A_354 = arith.index_cast %add3A_353 : i32 to index
        %get3A_355 = arith.constant 16 : index
        %get3A_356 = tpu.vector_load %arg6[%get3A_354, %get3A_355] {strides = array<i32>} : memref<800x32xf32, #tpu.memory_space<vmem>>, vector<16xf32>,
        %add3A_357 = arith.addf %add3A_329, %get3A_356 : vector<16xf32>
        %add3A_358 = arith.constant 22 : i32
        %add3A_359 = arith.addi %mul3A_31, %add3A_358 : i32
        %add3A_360 = arith.constant 1 : i32
        %add3A_361 = arith.addi %add3A_359, %add3A_360 : i32
        %get3A_362 = arith.index_cast %add3A_361 : i32 to index
        %get3A_363 = arith.constant 0 : index
        %get3A_364 = tpu.vector_load %arg6[%get3A_362, %get3A_363] {strides = array<i32>} : memref<800x32xf32, #tpu.memory_space<vmem>>, vector<16xf32>,
        %add3A_365 = arith.addf %add3A_337, %get3A_364 : vector<16xf32>
        %add3A_366 = arith.constant 22 : i32
        %add3A_367 = arith.addi %mul3A_31, %add3A_366 : i32
        %add3A_368 = arith.constant 1 : i32
        %add3A_369 = arith.addi %add3A_367, %add3A_368 : i32
        %get3A_370 = arith.index_cast %add3A_369 : i32 to index
        %get3A_371 = arith.constant 16 : index
        %get3A_372 = tpu.vector_load %arg6[%get3A_370, %get3A_371] {strides = array<i32>} : memref<800x32xf32, #tpu.memory_space<vmem>>, vector<16xf32>,
        %add3A_373 = arith.addf %add3A_345, %get3A_372 : vector<16xf32>
        %add3A_374 = arith.constant 24 : i32
        %add3A_375 = arith.addi %mul3A_31, %add3A_374 : i32
        %get3A_376 = arith.index_cast %add3A_375 : i32 to index
        %get3A_377 = arith.constant 0 : index
        %get3A_378 = tpu.vector_load %arg6[%get3A_376, %get3A_377] {strides = array<i32>} : memref<800x32xf32, #tpu.memory_space<vmem>>, vector<16xf32>,
        %add3A_379 = arith.addf %add3A_351, %get3A_378 : vector<16xf32>
        %add3A_380 = arith.constant 24 : i32
        %add3A_381 = arith.addi %mul3A_31, %add3A_380 : i32
        %get3A_382 = arith.index_cast %add3A_381 : i32 to index
        %get3A_383 = arith.constant 16 : index
        %get3A_384 = tpu.vector_load %arg6[%get3A_382, %get3A_383] {strides = array<i32>} : memref<800x32xf32, #tpu.memory_space<vmem>>, vector<16xf32>,
        %add3A_385 = arith.addf %add3A_357, %get3A_384 : vector<16xf32>
        %add3A_386 = arith.constant 24 : i32
        %add3A_387 = arith.addi %mul3A_31, %add3A_386 : i32
        %add3A_388 = arith.constant 1 : i32
        %add3A_389 = arith.addi %add3A_387, %add3A_388 : i32
        %get3A_390 = arith.index_cast %add3A_389 : i32 to index
        %get3A_391 = arith.constant 0 : index
        %get3A_392 = tpu.vector_load %arg6[%get3A_390, %get3A_391] {strides = array<i32>} : memref<800x32xf32, #tpu.memory_space<vmem>>, vector<16xf32>,
        %add3A_393 = arith.addf %add3A_365, %get3A_392 : vector<16xf32>
        %add3A_394 = arith.constant 24 : i32
        %add3A_395 = arith.addi %mul3A_31, %add3A_394 : i32
        %add3A_396 = arith.constant 1 : i32
        %add3A_397 = arith.addi %add3A_395, %add3A_396 : i32
        %get3A_398 = arith.index_cast %add3A_397 : i32 to index
        %get3A_399 = arith.constant 16 : index
        %get3A_400 = tpu.vector_load %arg6[%get3A_398, %get3A_399] {strides = array<i32>} : memref<800x32xf32, #tpu.memory_space<vmem>>, vector<16xf32>,
        %add3A_401 = arith.addf %add3A_373, %get3A_400 : vector<16xf32>
        %add3A_402 = arith.constant 26 : i32
        %add3A_403 = arith.addi %mul3A_31, %add3A_402 : i32
        %get3A_404 = arith.index_cast %add3A_403 : i32 to index
        %get3A_405 = arith.constant 0 : index
        %get3A_406 = tpu.vector_load %arg6[%get3A_404, %get3A_405] {strides = array<i32>} : memref<800x32xf32, #tpu.memory_space<vmem>>, vector<16xf32>,
        %add3A_407 = arith.addf %add3A_379, %get3A_406 : vector<16xf32>
        %add3A_408 = arith.constant 26 : i32
        %add3A_409 = arith.addi %mul3A_31, %add3A_408 : i32
        %get3A_410 = arith.index_cast %add3A_409 : i32 to index
        %get3A_411 = arith.constant 16 : index
        %get3A_412 = tpu.vector_load %arg6[%get3A_410, %get3A_411] {strides = array<i32>} : memref<800x32xf32, #tpu.memory_space<vmem>>, vector<16xf32>,
        %add3A_413 = arith.addf %add3A_385, %get3A_412 : vector<16xf32>
        %add3A_414 = arith.constant 26 : i32
        %add3A_415 = arith.addi %mul3A_31, %add3A_414 : i32
        %add3A_416 = arith.constant 1 : i32
        %add3A_417 = arith.addi %add3A_415, %add3A_416 : i32
        %get3A_418 = arith.index_cast %add3A_417 : i32 to index
        %get3A_419 = arith.constant 0 : index
        %get3A_420 = tpu.vector_load %arg6[%get3A_418, %get3A_419] {strides = array<i32>} : memref<800x32xf32, #tpu.memory_space<vmem>>, vector<16xf32>,
        %add3A_421 = arith.addf %add3A_393, %get3A_420 : vector<16xf32>
        %add3A_422 = arith.constant 26 : i32
        %add3A_423 = arith.addi %mul3A_31, %add3A_422 : i32
        %add3A_424 = arith.constant 1 : i32
        %add3A_425 = arith.addi %add3A_423, %add3A_424 : i32
        %get3A_426 = arith.index_cast %add3A_425 : i32 to index
        %get3A_427 = arith.constant 16 : index
        %get3A_428 = tpu.vector_load %arg6[%get3A_426, %get3A_427] {strides = array<i32>} : memref<800x32xf32, #tpu.memory_space<vmem>>, vector<16xf32>,
        %add3A_429 = arith.addf %add3A_401, %get3A_428 : vector<16xf32>
        %add3A_430 = arith.constant 28 : i32
        %add3A_431 = arith.addi %mul3A_31, %add3A_430 : i32
        %get3A_432 = arith.index_cast %add3A_431 : i32 to index
        %get3A_433 = arith.constant 0 : index
        %get3A_434 = tpu.vector_load %arg6[%get3A_432, %get3A_433] {strides = array<i32>} : memref<800x32xf32, #tpu.memory_space<vmem>>, vector<16xf32>,
        %add3A_435 = arith.addf %add3A_407, %get3A_434 : vector<16xf32>
        %add3A_436 = arith.constant 28 : i32
        %add3A_437 = arith.addi %mul3A_31, %add3A_436 : i32
        %get3A_438 = arith.index_cast %add3A_437 : i32 to index
        %get3A_439 = arith.constant 16 : index
        %get3A_440 = tpu.vector_load %arg6[%get3A_438, %get3A_439] {strides = array<i32>} : memref<800x32xf32, #tpu.memory_space<vmem>>, vector<16xf32>,
        %add3A_441 = arith.addf %add3A_413, %get3A_440 : vector<16xf32>
        %add3A_442 = arith.constant 28 : i32
        %add3A_443 = arith.addi %mul3A_31, %add3A_442 : i32
        %add3A_444 = arith.constant 1 : i32
        %add3A_445 = arith.addi %add3A_443, %add3A_444 : i32
        %get3A_446 = arith.index_cast %add3A_445 : i32 to index
        %get3A_447 = arith.constant 0 : index
        %get3A_448 = tpu.vector_load %arg6[%get3A_446, %get3A_447] {strides = array<i32>} : memref<800x32xf32, #tpu.memory_space<vmem>>, vector<16xf32>,
        %add3A_449 = arith.addf %add3A_421, %get3A_448 : vector<16xf32>
        %add3A_450 = arith.constant 28 : i32
        %add3A_451 = arith.addi %mul3A_31, %add3A_450 : i32
        %add3A_452 = arith.constant 1 : i32
        %add3A_453 = arith.addi %add3A_451, %add3A_452 : i32
        %get3A_454 = arith.index_cast %add3A_453 : i32 to index
        %get3A_455 = arith.constant 16 : index
        %get3A_456 = tpu.vector_load %arg6[%get3A_454, %get3A_455] {strides = array<i32>} : memref<800x32xf32, #tpu.memory_space<vmem>>, vector<16xf32>,
        %add3A_457 = arith.addf %add3A_429, %get3A_456 : vector<16xf32>
        %add3A_458 = arith.constant 30 : i32
        %add3A_459 = arith.addi %mul3A_31, %add3A_458 : i32
        %get3A_460 = arith.index_cast %add3A_459 : i32 to index
        %get3A_461 = arith.constant 0 : index
        %get3A_462 = tpu.vector_load %arg6[%get3A_460, %get3A_461] {strides = array<i32>} : memref<800x32xf32, #tpu.memory_space<vmem>>, vector<16xf32>,
        %add3A_463 = arith.addf %add3A_435, %get3A_462 : vector<16xf32>
        %add3A_464 = arith.constant 30 : i32
        %add3A_465 = arith.addi %mul3A_31, %add3A_464 : i32
        %get3A_466 = arith.index_cast %add3A_465 : i32 to index
        %get3A_467 = arith.constant 16 : index
        %get3A_468 = tpu.vector_load %arg6[%get3A_466, %get3A_467] {strides = array<i32>} : memref<800x32xf32, #tpu.memory_space<vmem>>, vector<16xf32>,
        %add3A_469 = arith.addf %add3A_441, %get3A_468 : vector<16xf32>
        %add3A_470 = arith.constant 30 : i32
        %add3A_471 = arith.addi %mul3A_31, %add3A_470 : i32
        %add3A_472 = arith.constant 1 : i32
        %add3A_473 = arith.addi %add3A_471, %add3A_472 : i32
        %get3A_474 = arith.index_cast %add3A_473 : i32 to index
        %get3A_475 = arith.constant 0 : index
        %get3A_476 = tpu.vector_load %arg6[%get3A_474, %get3A_475] {strides = array<i32>} : memref<800x32xf32, #tpu.memory_space<vmem>>, vector<16xf32>,
        %add3A_477 = arith.addf %add3A_449, %get3A_476 : vector<16xf32>
        %add3A_478 = arith.constant 30 : i32
        %add3A_479 = arith.addi %mul3A_31, %add3A_478 : i32
        %add3A_480 = arith.constant 1 : i32
        %add3A_481 = arith.addi %add3A_479, %add3A_480 : i32
        %get3A_482 = arith.index_cast %add3A_481 : i32 to index
        %get3A_483 = arith.constant 16 : index
        %get3A_484 = tpu.vector_load %arg6[%get3A_482, %get3A_483] {strides = array<i32>} : memref<800x32xf32, #tpu.memory_space<vmem>>, vector<16xf32>,
        %add3A_485 = arith.addf %add3A_457, %get3A_484 : vector<16xf32>
        %add3A_486 = arith.constant 32 : i32
        %add3A_487 = arith.addi %mul3A_31, %add3A_486 : i32
        %get3A_488 = arith.index_cast %add3A_487 : i32 to index
        %get3A_489 = arith.constant 0 : index
        %get3A_490 = tpu.vector_load %arg6[%get3A_488, %get3A_489] {strides = array<i32>} : memref<800x32xf32, #tpu.memory_space<vmem>>, vector<16xf32>,
        %add3A_491 = arith.addf %add3A_463, %get3A_490 : vector<16xf32>
        %add3A_492 = arith.constant 32 : i32
        %add3A_493 = arith.addi %mul3A_31, %add3A_492 : i32
        %get3A_494 = arith.index_cast %add3A_493 : i32 to index
        %get3A_495 = arith.constant 16 : index
        %get3A_496 = tpu.vector_load %arg6[%get3A_494, %get3A_495] {strides = array<i32>} : memref<800x32xf32, #tpu.memory_space<vmem>>, vector<16xf32>,
        %add3A_497 = arith.addf %add3A_469, %get3A_496 : vector<16xf32>
        %add3A_498 = arith.constant 32 : i32
        %add3A_499 = arith.addi %mul3A_31, %add3A_498 : i32
        %add3A_500 = arith.constant 1 : i32
        %add3A_501 = arith.addi %add3A_499, %add3A_500 : i32
        %get3A_502 = arith.index_cast %add3A_501 : i32 to index
        %get3A_503 = arith.constant 0 : index
        %get3A_504 = tpu.vector_load %arg6[%get3A_502, %get3A_503] {strides = array<i32>} : memref<800x32xf32, #tpu.memory_space<vmem>>, vector<16xf32>,
        %add3A_505 = arith.addf %add3A_477, %get3A_504 : vector<16xf32>
        %add3A_506 = arith.constant 32 : i32
        %add3A_507 = arith.addi %mul3A_31, %add3A_506 : i32
        %add3A_508 = arith.constant 1 : i32
        %add3A_509 = arith.addi %add3A_507, %add3A_508 : i32
        %get3A_510 = arith.index_cast %add3A_509 : i32 to index
        %get3A_511 = arith.constant 16 : index
        %get3A_512 = tpu.vector_load %arg6[%get3A_510, %get3A_511] {strides = array<i32>} : memref<800x32xf32, #tpu.memory_space<vmem>>, vector<16xf32>,
        %add3A_513 = arith.addf %add3A_485, %get3A_512 : vector<16xf32>
        %add3A_514 = arith.constant 34 : i32
        %add3A_515 = arith.addi %mul3A_31, %add3A_514 : i32
        %get3A_516 = arith.index_cast %add3A_515 : i32 to index
        %get3A_517 = arith.constant 0 : index
        %get3A_518 = tpu.vector_load %arg6[%get3A_516, %get3A_517] {strides = array<i32>} : memref<800x32xf32, #tpu.memory_space<vmem>>, vector<16xf32>,
        %add3A_519 = arith.addf %add3A_491, %get3A_518 : vector<16xf32>
        %add3A_520 = arith.constant 34 : i32
        %add3A_521 = arith.addi %mul3A_31, %add3A_520 : i32
        %get3A_522 = arith.index_cast %add3A_521 : i32 to index
        %get3A_523 = arith.constant 16 : index
        %get3A_524 = tpu.vector_load %arg6[%get3A_522, %get3A_523] {strides = array<i32>} : memref<800x32xf32, #tpu.memory_space<vmem>>, vector<16xf32>,
        %add3A_525 = arith.addf %add3A_497, %get3A_524 : vector<16xf32>
        %add3A_526 = arith.constant 34 : i32
        %add3A_527 = arith.addi %mul3A_31, %add3A_526 : i32
        %add3A_528 = arith.constant 1 : i32
        %add3A_529 = arith.addi %add3A_527, %add3A_528 : i32
        %get3A_530 = arith.index_cast %add3A_529 : i32 to index
        %get3A_531 = arith.constant 0 : index
        %get3A_532 = tpu.vector_load %arg6[%get3A_530, %get3A_531] {strides = array<i32>} : memref<800x32xf32, #tpu.memory_space<vmem>>, vector<16xf32>,
        %add3A_533 = arith.addf %add3A_505, %get3A_532 : vector<16xf32>
        %add3A_534 = arith.constant 34 : i32
        %add3A_535 = arith.addi %mul3A_31, %add3A_534 : i32
        %add3A_536 = arith.constant 1 : i32
        %add3A_537 = arith.addi %add3A_535, %add3A_536 : i32
        %get3A_538 = arith.index_cast %add3A_537 : i32 to index
        %get3A_539 = arith.constant 16 : index
        %get3A_540 = tpu.vector_load %arg6[%get3A_538, %get3A_539] {strides = array<i32>} : memref<800x32xf32, #tpu.memory_space<vmem>>, vector<16xf32>,
        %add3A_541 = arith.addf %add3A_513, %get3A_540 : vector<16xf32>
        %add3A_542 = arith.constant 36 : i32
        %add3A_543 = arith.addi %mul3A_31, %add3A_542 : i32
        %get3A_544 = arith.index_cast %add3A_543 : i32 to index
        %get3A_545 = arith.constant 0 : index
        %get3A_546 = tpu.vector_load %arg6[%get3A_544, %get3A_545] {strides = array<i32>} : memref<800x32xf32, #tpu.memory_space<vmem>>, vector<16xf32>,
        %add3A_547 = arith.addf %add3A_519, %get3A_546 : vector<16xf32>
        %add3A_548 = arith.constant 36 : i32
        %add3A_549 = arith.addi %mul3A_31, %add3A_548 : i32
        %get3A_550 = arith.index_cast %add3A_549 : i32 to index
        %get3A_551 = arith.constant 16 : index
        %get3A_552 = tpu.vector_load %arg6[%get3A_550, %get3A_551] {strides = array<i32>} : memref<800x32xf32, #tpu.memory_space<vmem>>, vector<16xf32>,
        %add3A_553 = arith.addf %add3A_525, %get3A_552 : vector<16xf32>
        %add3A_554 = arith.constant 36 : i32
        %add3A_555 = arith.addi %mul3A_31, %add3A_554 : i32
        %add3A_556 = arith.constant 1 : i32
        %add3A_557 = arith.addi %add3A_555, %add3A_556 : i32
        %get3A_558 = arith.index_cast %add3A_557 : i32 to index
        %get3A_559 = arith.constant 0 : index
        %get3A_560 = tpu.vector_load %arg6[%get3A_558, %get3A_559] {strides = array<i32>} : memref<800x32xf32, #tpu.memory_space<vmem>>, vector<16xf32>,
        %add3A_561 = arith.addf %add3A_533, %get3A_560 : vector<16xf32>
        %add3A_562 = arith.constant 36 : i32
        %add3A_563 = arith.addi %mul3A_31, %add3A_562 : i32
        %add3A_564 = arith.constant 1 : i32
        %add3A_565 = arith.addi %add3A_563, %add3A_564 : i32
        %get3A_566 = arith.index_cast %add3A_565 : i32 to index
        %get3A_567 = arith.constant 16 : index
        %get3A_568 = tpu.vector_load %arg6[%get3A_566, %get3A_567] {strides = array<i32>} : memref<800x32xf32, #tpu.memory_space<vmem>>, vector<16xf32>,
        %add3A_569 = arith.addf %add3A_541, %get3A_568 : vector<16xf32>
        %add3A_570 = arith.constant 38 : i32
        %add3A_571 = arith.addi %mul3A_31, %add3A_570 : i32
        %get3A_572 = arith.index_cast %add3A_571 : i32 to index
        %get3A_573 = arith.constant 0 : index
        %get3A_574 = tpu.vector_load %arg6[%get3A_572, %get3A_573] {strides = array<i32>} : memref<800x32xf32, #tpu.memory_space<vmem>>, vector<16xf32>,
        %add3A_575 = arith.addf %add3A_547, %get3A_574 : vector<16xf32>
        %add3A_576 = arith.constant 38 : i32
        %add3A_577 = arith.addi %mul3A_31, %add3A_576 : i32
        %get3A_578 = arith.index_cast %add3A_577 : i32 to index
        %get3A_579 = arith.constant 16 : index
        %get3A_580 = tpu.vector_load %arg6[%get3A_578, %get3A_579] {strides = array<i32>} : memref<800x32xf32, #tpu.memory_space<vmem>>, vector<16xf32>,
        %add3A_581 = arith.addf %add3A_553, %get3A_580 : vector<16xf32>
        %add3A_582 = arith.constant 38 : i32
        %add3A_583 = arith.addi %mul3A_31, %add3A_582 : i32
        %add3A_584 = arith.constant 1 : i32
        %add3A_585 = arith.addi %add3A_583, %add3A_584 : i32
        %get3A_586 = arith.index_cast %add3A_585 : i32 to index
        %get3A_587 = arith.constant 0 : index
        %get3A_588 = tpu.vector_load %arg6[%get3A_586, %get3A_587] {strides = array<i32>} : memref<800x32xf32, #tpu.memory_space<vmem>>, vector<16xf32>,
        %add3A_589 = arith.addf %add3A_561, %get3A_588 : vector<16xf32>
        %add3A_590 = arith.constant 38 : i32
        %add3A_591 = arith.addi %mul3A_31, %add3A_590 : i32
        %add3A_592 = arith.constant 1 : i32
        %add3A_593 = arith.addi %add3A_591, %add3A_592 : i32
        %get3A_594 = arith.index_cast %add3A_593 : i32 to index
        %get3A_595 = arith.constant 16 : index
        %get3A_596 = tpu.vector_load %arg6[%get3A_594, %get3A_595] {strides = array<i32>} : memref<800x32xf32, #tpu.memory_space<vmem>>, vector<16xf32>,
        %add3A_597 = arith.addf %add3A_569, %get3A_596 : vector<16xf32>
        %add3A_598 = arith.constant 40 : i32
        %add3A_599 = arith.addi %mul3A_31, %add3A_598 : i32
        %get3A_600 = arith.index_cast %add3A_599 : i32 to index
        %get3A_601 = arith.constant 0 : index
        %get3A_602 = tpu.vector_load %arg6[%get3A_600, %get3A_601] {strides = array<i32>} : memref<800x32xf32, #tpu.memory_space<vmem>>, vector<16xf32>,
        %add3A_603 = arith.addf %add3A_575, %get3A_602 : vector<16xf32>
        %add3A_604 = arith.constant 40 : i32
        %add3A_605 = arith.addi %mul3A_31, %add3A_604 : i32
        %get3A_606 = arith.index_cast %add3A_605 : i32 to index
        %get3A_607 = arith.constant 16 : index
        %get3A_608 = tpu.vector_load %arg6[%get3A_606, %get3A_607] {strides = array<i32>} : memref<800x32xf32, #tpu.memory_space<vmem>>, vector<16xf32>,
        %add3A_609 = arith.addf %add3A_581, %get3A_608 : vector<16xf32>
        %add3A_610 = arith.constant 40 : i32
        %add3A_611 = arith.addi %mul3A_31, %add3A_610 : i32
        %add3A_612 = arith.constant 1 : i32
        %add3A_613 = arith.addi %add3A_611, %add3A_612 : i32
        %get3A_614 = arith.index_cast %add3A_613 : i32 to index
        %get3A_615 = arith.constant 0 : index
        %get3A_616 = tpu.vector_load %arg6[%get3A_614, %get3A_615] {strides = array<i32>} : memref<800x32xf32, #tpu.memory_space<vmem>>, vector<16xf32>,
        %add3A_617 = arith.addf %add3A_589, %get3A_616 : vector<16xf32>
        %add3A_618 = arith.constant 40 : i32
        %add3A_619 = arith.addi %mul3A_31, %add3A_618 : i32
        %add3A_620 = arith.constant 1 : i32
        %add3A_621 = arith.addi %add3A_619, %add3A_620 : i32
        %get3A_622 = arith.index_cast %add3A_621 : i32 to index
        %get3A_623 = arith.constant 16 : index
        %get3A_624 = tpu.vector_load %arg6[%get3A_622, %get3A_623] {strides = array<i32>} : memref<800x32xf32, #tpu.memory_space<vmem>>, vector<16xf32>,
        %add3A_625 = arith.addf %add3A_597, %get3A_624 : vector<16xf32>
        %add3A_626 = arith.constant 42 : i32
        %add3A_627 = arith.addi %mul3A_31, %add3A_626 : i32
        %get3A_628 = arith.index_cast %add3A_627 : i32 to index
        %get3A_629 = arith.constant 0 : index
        %get3A_630 = tpu.vector_load %arg6[%get3A_628, %get3A_629] {strides = array<i32>} : memref<800x32xf32, #tpu.memory_space<vmem>>, vector<16xf32>,
        %add3A_631 = arith.addf %add3A_603, %get3A_630 : vector<16xf32>
        %add3A_632 = arith.constant 42 : i32
        %add3A_633 = arith.addi %mul3A_31, %add3A_632 : i32
        %get3A_634 = arith.index_cast %add3A_633 : i32 to index
        %get3A_635 = arith.constant 16 : index
        %get3A_636 = tpu.vector_load %arg6[%get3A_634, %get3A_635] {strides = array<i32>} : memref<800x32xf32, #tpu.memory_space<vmem>>, vector<16xf32>,
        %add3A_637 = arith.addf %add3A_609, %get3A_636 : vector<16xf32>
        %add3A_638 = arith.constant 42 : i32
        %add3A_639 = arith.addi %mul3A_31, %add3A_638 : i32
        %add3A_640 = arith.constant 1 : i32
        %add3A_641 = arith.addi %add3A_639, %add3A_640 : i32
        %get3A_642 = arith.index_cast %add3A_641 : i32 to index
        %get3A_643 = arith.constant 0 : index
        %get3A_644 = tpu.vector_load %arg6[%get3A_642, %get3A_643] {strides = array<i32>} : memref<800x32xf32, #tpu.memory_space<vmem>>, vector<16xf32>,
        %add3A_645 = arith.addf %add3A_617, %get3A_644 : vector<16xf32>
        %add3A_646 = arith.constant 42 : i32
        %add3A_647 = arith.addi %mul3A_31, %add3A_646 : i32
        %add3A_648 = arith.constant 1 : i32
        %add3A_649 = arith.addi %add3A_647, %add3A_648 : i32
        %get3A_650 = arith.index_cast %add3A_649 : i32 to index
        %get3A_651 = arith.constant 16 : index
        %get3A_652 = tpu.vector_load %arg6[%get3A_650, %get3A_651] {strides = array<i32>} : memref<800x32xf32, #tpu.memory_space<vmem>>, vector<16xf32>,
        %add3A_653 = arith.addf %add3A_625, %get3A_652 : vector<16xf32>
        %add3A_654 = arith.constant 44 : i32
        %add3A_655 = arith.addi %mul3A_31, %add3A_654 : i32
        %get3A_656 = arith.index_cast %add3A_655 : i32 to index
        %get3A_657 = arith.constant 0 : index
        %get3A_658 = tpu.vector_load %arg6[%get3A_656, %get3A_657] {strides = array<i32>} : memref<800x32xf32, #tpu.memory_space<vmem>>, vector<16xf32>,
        %add3A_659 = arith.addf %add3A_631, %get3A_658 : vector<16xf32>
        %add3A_660 = arith.constant 44 : i32
        %add3A_661 = arith.addi %mul3A_31, %add3A_660 : i32
        %get3A_662 = arith.index_cast %add3A_661 : i32 to index
        %get3A_663 = arith.constant 16 : index
        %get3A_664 = tpu.vector_load %arg6[%get3A_662, %get3A_663] {strides = array<i32>} : memref<800x32xf32, #tpu.memory_space<vmem>>, vector<16xf32>,
        %add3A_665 = arith.addf %add3A_637, %get3A_664 : vector<16xf32>
        %add3A_666 = arith.constant 44 : i32
        %add3A_667 = arith.addi %mul3A_31, %add3A_666 : i32
        %add3A_668 = arith.constant 1 : i32
        %add3A_669 = arith.addi %add3A_667, %add3A_668 : i32
        %get3A_670 = arith.index_cast %add3A_669 : i32 to index
        %get3A_671 = arith.constant 0 : index
        %get3A_672 = tpu.vector_load %arg6[%get3A_670, %get3A_671] {strides = array<i32>} : memref<800x32xf32, #tpu.memory_space<vmem>>, vector<16xf32>,
        %add3A_673 = arith.addf %add3A_645, %get3A_672 : vector<16xf32>
        %add3A_674 = arith.constant 44 : i32
        %add3A_675 = arith.addi %mul3A_31, %add3A_674 : i32
        %add3A_676 = arith.constant 1 : i32
        %add3A_677 = arith.addi %add3A_675, %add3A_676 : i32
        %get3A_678 = arith.index_cast %add3A_677 : i32 to index
        %get3A_679 = arith.constant 16 : index
        %get3A_680 = tpu.vector_load %arg6[%get3A_678, %get3A_679] {strides = array<i32>} : memref<800x32xf32, #tpu.memory_space<vmem>>, vector<16xf32>,
        %add3A_681 = arith.addf %add3A_653, %get3A_680 : vector<16xf32>
        %add3A_682 = arith.constant 46 : i32
        %add3A_683 = arith.addi %mul3A_31, %add3A_682 : i32
        %get3A_684 = arith.index_cast %add3A_683 : i32 to index
        %get3A_685 = arith.constant 0 : index
        %get3A_686 = tpu.vector_load %arg6[%get3A_684, %get3A_685] {strides = array<i32>} : memref<800x32xf32, #tpu.memory_space<vmem>>, vector<16xf32>,
        %add3A_687 = arith.addf %add3A_659, %get3A_686 : vector<16xf32>
        %add3A_688 = arith.constant 46 : i32
        %add3A_689 = arith.addi %mul3A_31, %add3A_688 : i32
        %get3A_690 = arith.index_cast %add3A_689 : i32 to index
        %get3A_691 = arith.constant 16 : index
        %get3A_692 = tpu.vector_load %arg6[%get3A_690, %get3A_691] {strides = array<i32>} : memref<800x32xf32, #tpu.memory_space<vmem>>, vector<16xf32>,
        %add3A_693 = arith.addf %add3A_665, %get3A_692 : vector<16xf32>
        %add3A_694 = arith.constant 46 : i32
        %add3A_695 = arith.addi %mul3A_31, %add3A_694 : i32
        %add3A_696 = arith.constant 1 : i32
        %add3A_697 = arith.addi %add3A_695, %add3A_696 : i32
        %get3A_698 = arith.index_cast %add3A_697 : i32 to index
        %get3A_699 = arith.constant 0 : index
        %get3A_700 = tpu.vector_load %arg6[%get3A_698, %get3A_699] {strides = array<i32>} : memref<800x32xf32, #tpu.memory_space<vmem>>, vector<16xf32>,
        %add3A_701 = arith.addf %add3A_673, %get3A_700 : vector<16xf32>
        %add3A_702 = arith.constant 46 : i32
        %add3A_703 = arith.addi %mul3A_31, %add3A_702 : i32
        %add3A_704 = arith.constant 1 : i32
        %add3A_705 = arith.addi %add3A_703, %add3A_704 : i32
        %get3A_706 = arith.index_cast %add3A_705 : i32 to index
        %get3A_707 = arith.constant 16 : index
        %get3A_708 = tpu.vector_load %arg6[%get3A_706, %get3A_707] {strides = array<i32>} : memref<800x32xf32, #tpu.memory_space<vmem>>, vector<16xf32>,
        %add3A_709 = arith.addf %add3A_681, %get3A_708 : vector<16xf32>
        %add3A_710 = arith.constant 48 : i32
        %add3A_711 = arith.addi %mul3A_31, %add3A_710 : i32
        %get3A_712 = arith.index_cast %add3A_711 : i32 to index
        %get3A_713 = arith.constant 0 : index
        %get3A_714 = tpu.vector_load %arg6[%get3A_712, %get3A_713] {strides = array<i32>} : memref<800x32xf32, #tpu.memory_space<vmem>>, vector<16xf32>,
        %add3A_715 = arith.addf %add3A_687, %get3A_714 : vector<16xf32>
        %add3A_716 = arith.constant 48 : i32
        %add3A_717 = arith.addi %mul3A_31, %add3A_716 : i32
        %get3A_718 = arith.index_cast %add3A_717 : i32 to index
        %get3A_719 = arith.constant 16 : index
        %get3A_720 = tpu.vector_load %arg6[%get3A_718, %get3A_719] {strides = array<i32>} : memref<800x32xf32, #tpu.memory_space<vmem>>, vector<16xf32>,
        %add3A_721 = arith.addf %add3A_693, %get3A_720 : vector<16xf32>
        %add3A_722 = arith.constant 48 : i32
        %add3A_723 = arith.addi %mul3A_31, %add3A_722 : i32
        %add3A_724 = arith.constant 1 : i32
        %add3A_725 = arith.addi %add3A_723, %add3A_724 : i32
        %get3A_726 = arith.index_cast %add3A_725 : i32 to index
        %get3A_727 = arith.constant 0 : index
        %get3A_728 = tpu.vector_load %arg6[%get3A_726, %get3A_727] {strides = array<i32>} : memref<800x32xf32, #tpu.memory_space<vmem>>, vector<16xf32>,
        %add3A_729 = arith.addf %add3A_701, %get3A_728 : vector<16xf32>
        %add3A_730 = arith.constant 48 : i32
        %add3A_731 = arith.addi %mul3A_31, %add3A_730 : i32
        %add3A_732 = arith.constant 1 : i32
        %add3A_733 = arith.addi %add3A_731, %add3A_732 : i32
        %get3A_734 = arith.index_cast %add3A_733 : i32 to index
        %get3A_735 = arith.constant 16 : index
        %get3A_736 = tpu.vector_load %arg6[%get3A_734, %get3A_735] {strides = array<i32>} : memref<800x32xf32, #tpu.memory_space<vmem>>, vector<16xf32>,
        %add3A_737 = arith.addf %add3A_709, %get3A_736 : vector<16xf32>
        %add3A_738 = arith.addf %add3A_715, %add3A_729 : vector<16xf32>
        %swap3A = arith.index_cast %scan3A_29 : i32 to index
        %swap3A_739 = arith.constant 0 : index
        %swap3A_740 = tpu.vector_load %arg7[%swap3A, %swap3A_739] {strides = array<i32>} : memref<16x32xf32, #tpu.memory_space<vmem>>, vector<16xf32>,
        tpu.vector_store %arg7[%swap3A, %swap3A_739], %add3A_738 {strides = array<i32>} : memref<16x32xf32, #tpu.memory_space<vmem>>, vector<16xf32>,
        %add3A_741 = arith.addf %add3A_721, %add3A_737 : vector<16xf32>
        %swap3A_742 = arith.index_cast %scan3A_29 : i32 to index
        %swap3A_743 = arith.constant 16 : index
        %swap3A_744 = tpu.vector_load %arg7[%swap3A_742, %swap3A_743] {strides = array<i32>} : memref<16x32xf32, #tpu.memory_space<vmem>>, vector<16xf32>,
        tpu.vector_store %arg7[%swap3A_742, %swap3A_743], %add3A_741 {strides = array<i32>} : memref<16x32xf32, #tpu.memory_space<vmem>>, vector<16xf32>,
      }
      %scan3A_28 = arith.constant 16 : i32
      "tpu.region"() ({
        %run_scoped3A = tpu.sem_alloc : memref<!tpu.dma_semaphore, #tpu.memory_space<semaphore_mem>>
        %dma_start3A_29 = arith.constant 0 : i32
        %dma_start3A_30 = tpu.memref_slice %arg4[%add3A_18, %dma_start3A_29] : memref<4096x32xf32, #tpu.memory_space<hbm>> -> memref<16x32xf32, #tpu.memory_space<hbm>>
        %dma_start3A_31 = arith.constant 0 : i32
        %dma_start3A_32 = tpu.memref_slice %arg4[%add3A_18, %dma_start3A_31] : memref<4096x32xf32, #tpu.memory_space<hbm>> -> memref<16x32xf32, #tpu.memory_space<hbm>>
        tpu.enqueue_dma source(%arg7 : memref<16x32xf32, #tpu.memory_space<vmem>>) target(%dma_start3A_32 : memref<16x32xf32, #tpu.memory_space<hbm>>) target_semaphore(%run_scoped3A : memref<!tpu.dma_semaphore, #tpu.memory_space<semaphore_mem>>)
        %dma_wait3A_33 = arith.constant 0 : i32
        %dma_wait3A_34 = tpu.memref_slice %arg4[%add3A_18, %dma_wait3A_33] : memref<4096x32xf32, #tpu.memory_space<hbm>> -> memref<16x32xf32, #tpu.memory_space<hbm>>
        %dma_wait3A_35 = arith.constant 0 : i32
        %dma_wait3A_36 = tpu.memref_slice %arg4[%add3A_18, %dma_wait3A_35] : memref<4096x32xf32, #tpu.memory_space<hbm>> -> memref<16x32xf32, #tpu.memory_space<hbm>>
        tpu.wait_dma2 semaphore(%run_scoped3A : memref<!tpu.dma_semaphore, #tpu.memory_space<semaphore_mem>>) src(%arg7 : memref<16x32xf32, #tpu.memory_space<vmem>>) dst(%dma_wait3A_36 : memref<16x32xf32, #tpu.memory_space<hbm>>)
        tpu.yield
      }) : () -> ()
    }
    %scan3A_5 = arith.constant 8 : i32
    return
  }
}

module attributes {stable_mosaic.version = 14 : i64} {
  func.func @_relayout_main(%arg0: i32, %arg1: memref<32x16128xf32, #tpu.memory_space<vmem>>, %arg2: memref<1x16128xf32, #tpu.memory_space<vmem>>, %arg3: memref<4032x128xf32, #tpu.memory_space<vmem>>, %arg4: memref<16128x32xf32, #tpu.memory_space<vmem>>) attributes {dimension_semantics = [#tpu.dimension_semantics<parallel>], iteration_bounds = array<i64: 62>, scalar_prefetch = 0 : i64, scratch_operands = 1 : i64, tpu.core_type = #tpu.core_type<tc>, window_params = [{transform_indices = @transform_0, window_bounds = array<i64: 32, 16128>}, {transform_indices = @transform_1, window_bounds = array<i64: 1, 16128>}, {transform_indices = @transform_2, window_bounds = array<i64: 4032, 128>}]} {
    %iota3A = tpu.iota {dimensions = array<i32: 1>} : vector<1x16128xi32>
    %eq3A = arith.constant 0 : i32
    %eq3A_0 = arith.cmpi eq, %arg0, %eq3A : i32
    %eq3A_1 = arith.constant 0 : i32
    %eq3A_2 = vector.broadcast %eq3A_1 : i32 to vector<1x16128xi32>
    %eq3A_3 = arith.cmpi eq, %iota3A, %eq3A_2 : vector<1x16128xi32>
    %and3A = vector.broadcast %eq3A_0 : i1 to vector<1x16128xi1>
    %and3A_4 = arith.andi %and3A, %eq3A_3 : vector<1x16128xi1>
    %get3A = arith.constant 0 : index
    %get3A_5 = arith.constant 0 : index
    %get3A_6 = vector.load %arg2[%get3A, %get3A_5] : memref<1x16128xf32, #tpu.memory_space<vmem>>, vector<1x16128xf32>
    %jit3A = arith.constant 0.000000e+00 : f32
    %broadcast_in_dim3A = vector.broadcast %jit3A : f32 to vector<1x16128xf32>
    %select_n3A = arith.select %and3A_4, %broadcast_in_dim3A, %get3A_6 : vector<1x16128xi1>, vector<1x16128xf32>
    %get3A_7 = arith.constant 0 : index
    %get3A_8 = arith.constant 0 : index
    %get3A_9 = vector.load %arg1[%get3A_7, %get3A_8] : memref<32x16128xf32, #tpu.memory_space<vmem>>, vector<32x16128xf32>
    %mul3A = vector.broadcast %select_n3A : vector<1x16128xf32> to vector<32x16128xf32>
    %mul3A_10 = arith.mulf %get3A_9, %mul3A : vector<32x16128xf32>
    %transpose3A = tpu.transpose %mul3A_10, [1, 0] : vector<32x16128xf32> -> vector<16128x32xf32>
    %swap3A = arith.constant 0 : index
    %swap3A_11 = arith.constant 0 : index
    %swap3A_12 = vector.load %arg4[%swap3A, %swap3A_11] : memref<16128x32xf32, #tpu.memory_space<vmem>>, vector<16128x32xf32>
    tpu.vector_store %arg4[%swap3A, %swap3A_11], %transpose3A {strides = array<i32>} : memref<16128x32xf32, #tpu.memory_space<vmem>>, vector<16128x32xf32>,
    %get3A_13 = arith.constant 0 : index
    %get3A_14 = arith.constant 0 : index
    %get3A_15 = tpu.strided_load %arg4[%get3A_13, %get3A_14] {strides = array<i32: 4, 1>} : memref<16128x32xf32, #tpu.memory_space<vmem>>, vector<4032x32xf32>
    %get3A_16 = arith.constant 1 : index
    %get3A_17 = arith.constant 0 : index
    %get3A_18 = tpu.strided_load %arg4[%get3A_16, %get3A_17] {strides = array<i32: 4, 1>} : memref<16128x32xf32, #tpu.memory_space<vmem>>, vector<4032x32xf32>
    %get3A_19 = arith.constant 2 : index
    %get3A_20 = arith.constant 0 : index
    %get3A_21 = tpu.strided_load %arg4[%get3A_19, %get3A_20] {strides = array<i32: 4, 1>} : memref<16128x32xf32, #tpu.memory_space<vmem>>, vector<4032x32xf32>
    %get3A_22 = arith.constant 3 : index
    %get3A_23 = arith.constant 0 : index
    %get3A_24 = tpu.strided_load %arg4[%get3A_22, %get3A_23] {strides = array<i32: 4, 1>} : memref<16128x32xf32, #tpu.memory_space<vmem>>, vector<4032x32xf32>
    %concatenate3A = tpu.concatenate %get3A_15, %get3A_18, %get3A_21, %get3A_24 in 1 : vector<4032x32xf32>, vector<4032x32xf32>, vector<4032x32xf32>, vector<4032x32xf32> -> vector<4032x128xf32>
    %swap3A_25 = arith.constant 0 : index
    %swap3A_26 = arith.constant 0 : index
    %swap3A_27 = vector.load %arg3[%swap3A_25, %swap3A_26] : memref<4032x128xf32, #tpu.memory_space<vmem>>, vector<4032x128xf32>
    tpu.vector_store %arg3[%swap3A_25, %swap3A_26], %concatenate3A {strides = array<i32>} : memref<4032x128xf32, #tpu.memory_space<vmem>>, vector<4032x128xf32>,
    return
  }
  func.func @transform_0(%arg0: i32) -> (i32, i32) {
    %c0_i32 = arith.constant 0 : i32
    %c0_i32_0 = arith.constant 0 : i32
    return %c0_i32, %arg0 : i32, i32
  }
  func.func @transform_1(%arg0: i32) -> (i32, i32) {
    %c0_i32 = arith.constant 0 : i32
    %c0_i32_0 = arith.constant 0 : i32
    return %c0_i32, %arg0 : i32, i32
  }
  func.func @transform_2(%arg0: i32) -> (i32, i32) {
    %c0_i32 = arith.constant 0 : i32
    %c0_i32_0 = arith.constant 0 : i32
    return %arg0, %c0_i32 : i32, i32
  }
}

module attributes {stable_mosaic.version = 14 : i64} {
  func.func @_relayout_tail(%arg0: memref<250000x128xf32, #tpu.memory_space<any>>, %arg1: memref<32x64xf32, #tpu.memory_space<vmem>>, %arg2: memref<1x64xf32, #tpu.memory_space<vmem>>, %arg3: memref<250000x128xf32, #tpu.memory_space<any>>, %arg4: memref<64x32xf32, #tpu.memory_space<vmem>>, %arg5: memref<16x128xf32, #tpu.memory_space<vmem>>, %arg6: memref<!tpu.dma_semaphore, #tpu.memory_space<semaphore_mem>>) attributes {dimension_semantics = [], scalar_prefetch = 0 : i64, scratch_operands = 3 : i64, tpu.core_type = #tpu.core_type<tc>} {
    %get3A = arith.constant 0 : index
    %get3A_0 = arith.constant 0 : index
    %get3A_1 = vector.load %arg1[%get3A, %get3A_0] : memref<32x64xf32, #tpu.memory_space<vmem>>, vector<32x64xf32>
    %get3A_2 = arith.constant 0 : index
    %get3A_3 = arith.constant 0 : index
    %get3A_4 = vector.load %arg2[%get3A_2, %get3A_3] : memref<1x64xf32, #tpu.memory_space<vmem>>, vector<1x64xf32>
    %mul3A = vector.broadcast %get3A_4 : vector<1x64xf32> to vector<32x64xf32>
    %mul3A_5 = arith.mulf %get3A_1, %mul3A : vector<32x64xf32>
    %transpose3A = tpu.transpose %mul3A_5, [1, 0] : vector<32x64xf32> -> vector<64x32xf32>
    %swap3A = arith.constant 0 : index
    %swap3A_6 = arith.constant 0 : index
    %swap3A_7 = vector.load %arg4[%swap3A, %swap3A_6] : memref<64x32xf32, #tpu.memory_space<vmem>>, vector<64x32xf32>
    tpu.vector_store %arg4[%swap3A, %swap3A_6], %transpose3A {strides = array<i32>} : memref<64x32xf32, #tpu.memory_space<vmem>>, vector<64x32xf32>,
    %get3A_8 = arith.constant 0 : index
    %get3A_9 = arith.constant 0 : index
    %get3A_10 = tpu.strided_load %arg4[%get3A_8, %get3A_9] {strides = array<i32: 4, 1>} : memref<64x32xf32, #tpu.memory_space<vmem>>, vector<16x32xf32>
    %get3A_11 = arith.constant 1 : index
    %get3A_12 = arith.constant 0 : index
    %get3A_13 = tpu.strided_load %arg4[%get3A_11, %get3A_12] {strides = array<i32: 4, 1>} : memref<64x32xf32, #tpu.memory_space<vmem>>, vector<16x32xf32>
    %get3A_14 = arith.constant 2 : index
    %get3A_15 = arith.constant 0 : index
    %get3A_16 = tpu.strided_load %arg4[%get3A_14, %get3A_15] {strides = array<i32: 4, 1>} : memref<64x32xf32, #tpu.memory_space<vmem>>, vector<16x32xf32>
    %get3A_17 = arith.constant 3 : index
    %get3A_18 = arith.constant 0 : index
    %get3A_19 = tpu.strided_load %arg4[%get3A_17, %get3A_18] {strides = array<i32: 4, 1>} : memref<64x32xf32, #tpu.memory_space<vmem>>, vector<16x32xf32>
    %concatenate3A = tpu.concatenate %get3A_10, %get3A_13, %get3A_16, %get3A_19 in 1 : vector<16x32xf32>, vector<16x32xf32>, vector<16x32xf32>, vector<16x32xf32> -> vector<16x128xf32>
    %swap3A_20 = arith.constant 0 : index
    %swap3A_21 = arith.constant 0 : index
    %swap3A_22 = vector.load %arg5[%swap3A_20, %swap3A_21] : memref<16x128xf32, #tpu.memory_space<vmem>>, vector<16x128xf32>
    tpu.vector_store %arg5[%swap3A_20, %swap3A_21], %concatenate3A {strides = array<i32>} : memref<16x128xf32, #tpu.memory_space<vmem>>, vector<16x128xf32>,
    %dma_start3A = arith.constant 249984 : i32
    %dma_start3A_23 = arith.constant 0 : i32
    %dma_start3A_24 = tpu.memref_slice %arg3[%dma_start3A, %dma_start3A_23] : memref<250000x128xf32, #tpu.memory_space<any>> -> memref<16x128xf32, #tpu.memory_space<any>>
    tpu.enqueue_dma source(%arg5 : memref<16x128xf32, #tpu.memory_space<vmem>>) target(%dma_start3A_24 : memref<16x128xf32, #tpu.memory_space<any>>) target_semaphore(%arg6 : memref<!tpu.dma_semaphore, #tpu.memory_space<semaphore_mem>>)
    %dma_wait3A = arith.constant 249984 : i32
    %dma_wait3A_25 = arith.constant 0 : i32
    %dma_wait3A_26 = tpu.memref_slice %arg3[%dma_wait3A, %dma_wait3A_25] : memref<250000x128xf32, #tpu.memory_space<any>> -> memref<16x128xf32, #tpu.memory_space<any>>
    tpu.wait_dma2 semaphore(%arg6 : memref<!tpu.dma_semaphore, #tpu.memory_space<semaphore_mem>>) src(%arg5 : memref<16x128xf32, #tpu.memory_space<vmem>>) dst(%dma_wait3A_26 : memref<16x128xf32, #tpu.memory_space<any>>)
    return
  }
}

</mosaic_0001>

<sc_bundles>
// kernel: kernel.5.cloned.1.call-start
scs
__scs_entry_jumppad:
0x0: {  	(pc) =	sbr.rel $0x88, $3  }
0x1: {  	(tag) =	ssettag $0x0;
	lr =	simm.s32 $0x1  }
0x2: {  	[smem:$0x3F9E] =	sst lr;
	_ =	strace $0xD0000000  }
0x3: {  	_ = 	snop  }
0x4: {  	_ = 	snop  }
0x5: {  	_ = 	snop  }
0x6: {  	_ = 	snop  }
0x7: {  	_ = 	snop  }
__scs_overlays_trampoline_lowered:
0x8: {  	[smem:$0x3FAD] =	sst s0  }
0x9: {  	[smem:$0x3FAE] =	sst s1  }
0xa: {  	[smem:$0x3FAF] =	sst s2  }
0xb: {  	[smem:$0x3FB0] =	sst s3  }
0xc: {  	[smem:$0x3FB1] =	sst s4  }
0xd: {  	[smem:$0x3FB2] =	sst s5  }
0xe: {  	[smem:$0x3FB3] =	sst s6  }
0xf: {  	[smem:$0x3FB4] =	sst s7  }
0x10: {  	[smem:$0x3FB5] =	sst s8  }
0x11: {  	[smem:$0x3FB6] =	sst s9;
	s0 =	simm.s32 @!p0 $0x0  }
0x12: {  	s1 =	sld [smem:$0x3F9C];
	s0 =	simm.s32 @p0 $0x1  }
0x13: {  	[smem:$0x3FB7] =	sst s0;
	s0 =	simm.s32 @!p1 $0x0  }
0x14: {  	s2 =	sld [smem:$0x3F9B];
	s0 =	simm.s32 @p1 $0x1  }
0x15: {  	[smem:$0x3FB8] =	sst s0;
	s0 =	simm.s32 @!p2 $0x0  }
0x16: {  	s3 =	sld [smem:$0x3FDB];
	s0 =	simm.s32 @p2 $0x1  }
0x17: {  	s4 =	simm.s32 $0x1BF5;
	[smem:$0x3FBA] =	sst s0  }
0x18: {  	s0 =	sld [smem:$0x3F9D];
	_ =	swait.ge [sflag:s4], $0x0  }
0x19: {  	s7 =	sld [smem:$0x3F9E]  }
0x1a: {  	s8 =	sadd.s32 $0xFFFFE003, lr  }
0x1b: {  	s9 =	sadd.s32 $0xFFFFFEF7, lr;
	s5 =	simm.s32 $0xFFFFFFFF;
	p2 =	slt.u32 s8, $0xFFFFF086  }
0x1c: {  	p1 =	slt.u32 s9, $0xF7A;
	s5 =	simm.s32 @!p2 $0x0  }
0x1d: {  	s5 =	simm.s32 @p1 $0x1;
	p0 =	seq.s32 s7, s2  }
0x1e: {  	s7 =	smul.u32 @!p0 $0xF7A, s2;
	p2 =	seq.s32 @!p0 s5, $0x0  }
0x1f: {  	s9 =	smul.u32 $0xF7A, s1;
	s8 =	simm.s32 @!p0 $0x1BF5;
	p2 =	por !p2, p0  }
0x20: {  	[sflag:s8] =	ssyncset.s32 @!p0 $0xFFFFF086;
	s6 =	sadd.s32 @!p0 s3, s7;
	s7 =	simm.s32 @!p0 $0x108  }
0x21: {  	s3 =	sadd.s32 s3, s9;
	s6 =	sadd.s32 @!p0 $0x88, s6;
	s7 =	simm.s32 @p2 $0x1082  }
0x22: {  	[simem:s7], [sflag:s8] =	dma.local @!p0 [hbm:s6], $0xF7A  }
0x23: {  	s9 =	sor.u32 $0xD0000000, s2;
	s6 =	simm.s32 $0x108;
	_ =	swait.ge @!p0 [sflag:s8], $0x0  }
0x24: {  	s3 =	sadd.s32 $0x88, s3;
	s6 =	simm.s32 @!p1 $0x1082;
	[sflag:s4] =	ssyncset.s32 $0xFFFFF086  }
0x25: {  	[simem:s6], [sflag:s4] =	dma.local [hbm:s3], $0xF7A  }
0x26: {  	[smem:$0x3F9E] =	sst s1;
	(tag) =	ssettag s2;
	_ =	strace s9  }
0x27: {  	s1 =	sld [smem:$0x3FAE]  }
0x28: {  	s2 =	sld [smem:$0x3FAF]  }
0x29: {  	s4 =	sld [smem:$0x3FB1]  }
0x2a: {  	p0 =	seq.s32 s5, $0x0;
	s5 =	sld [smem:$0x3FB2]  }
0x2b: {  	s6 =	sld [smem:$0x3FB3]  }
0x2c: {  	s7 =	sld [smem:$0x3FB4]  }
0x2d: {  	s3 =	simm.s32 $0x108;
	s8 =	sld [smem:$0x3FB5]  }
0x2e: {  	s3 =	simm.s32 @!p0 $0x1082;
	s9 =	sld [smem:$0x3FB6]  }
0x2f: {  	lr =	sadd.s32 s0, s3;
	s0 =	sld [smem:$0x3FAD]  }
0x30: {  	s3 =	sld [smem:$0x3FB0]  }
0x31: {  	[smem:$0x3FB9] =	sst s10  }
0x32: {  	s10 =	sld [smem:$0x3FB7];
	_ =	sdelay $0x3  }
0x33: {  	p0 =	seq.s32 s10, $0x1;
	s10 =	sld [smem:$0x3FB9];
	_ =	sdelay $0x3  }
0x34: {  	[smem:$0x3FB9] =	sst s10  }
0x35: {  	s10 =	sld [smem:$0x3FB8];
	_ =	sdelay $0x3  }
0x36: {  	p1 =	seq.s32 s10, $0x1;
	s10 =	sld [smem:$0x3FB9];
	_ =	sdelay $0x3  }
0x37: {  	[smem:$0x3FB9] =	sst s10  }
0x38: {  	s10 =	sld [smem:$0x3FBA]  }
0x39: {  	_ = 	snop;
	(pc) =	sbr.ind lr, $3  }
0x3a: {  	_ = 	snop  }
0x3b: {  	_ = 	snop  }
0x3c: {  	p2 =	seq.s32 s10, $0x1;
	s10 =	sld [smem:$0x3FB9]  }
0x3d: {  	_ =	shalt  }
0x3e: {  	_ =	shalt  }
0x3f: {  	_ =	shalt  }
0x40: {  	_ =	shalt  }
0x41: {  	_ =	shalt  }
0x42: {  	_ =	shalt  }
0x43: {  	_ =	shalt  }
0x44: {  	_ =	shalt  }
0x45: {  	_ =	shalt  }
0x46: {  	_ =	shalt  }
0x47: {  	_ =	shalt  }
0x48: {  	_ =	shalt  }
0x49: {  	_ =	shalt  }
0x4a: {  	_ =	shalt  }
0x4b: {  	_ =	shalt  }
0x4c: {  	_ =	shalt  }
0x4d: {  	_ =	shalt  }
0x4e: {  	_ =	shalt  }
0x4f: {  	_ =	shalt  }
0x50: {  	_ =	shalt  }
0x51: {  	_ =	shalt  }
0x52: {  	_ =	shalt  }
0x53: {  	_ =	shalt  }
0x54: {  	_ =	shalt  }
0x55: {  	_ =	shalt  }
0x56: {  	_ =	shalt  }
0x57: {  	_ =	shalt  }
0x58: {  	_ =	shalt  }
0x59: {  	_ =	shalt  }
0x5a: {  	_ =	shalt  }
0x5b: {  	_ =	shalt  }
0x5c: {  	_ =	shalt  }
0x5d: {  	_ =	shalt  }
0x5e: {  	_ =	shalt  }
0x5f: {  	_ =	shalt  }
0x60: {  	_ =	shalt  }
0x61: {  	_ =	shalt  }
0x62: {  	_ =	shalt  }
0x63: {  	_ =	shalt  }
0x64: {  	_ =	shalt  }
0x65: {  	_ =	shalt  }
0x66: {  	_ =	shalt  }
0x67: {  	_ =	shalt  }
0x68: {  	_ =	shalt  }
0x69: {  	_ =	shalt  }
0x6a: {  	_ =	shalt  }
0x6b: {  	_ =	shalt  }
0x6c: {  	_ =	shalt  }
0x6d: {  	_ =	shalt  }
0x6e: {  	_ =	shalt  }
0x6f: {  	_ =	shalt  }
0x70: {  	_ =	shalt  }
0x71: {  	_ =	shalt  }
0x72: {  	_ =	shalt  }
0x73: {  	_ =	shalt  }
0x74: {  	_ =	shalt  }
0x75: {  	_ =	shalt  }
0x76: {  	_ =	shalt  }
0x77: {  	_ =	shalt  }
0x78: {  	_ =	shalt  }
0x79: {  	_ =	shalt  }
0x7a: {  	_ =	shalt  }
0x7b: {  	_ =	shalt  }
0x7c: {  	_ =	shalt  }
0x7d: {  	_ =	shalt  }
0x7e: {  	_ =	shalt  }
0x7f: {  	_ =	shalt  }
0x80: {  	_ =	shalt  }
0x81: {  	_ =	shalt  }
0x82: {  	_ =	shalt  }
0x83: {  	_ =	shalt  }
0x84: {  	_ =	shalt  }
0x85: {  	_ =	shalt  }
0x86: {  	_ =	shalt  }
0x87: {  	_ =	shalt  }
.Lfunc_end0:
.L_simem_size_0:
called_computation_lowered:
.L_overlay_start_0:
0x88: {  	s2 =	sld [smem:$0x3FD9]  }
0x89: {  	s3 =	sld [smem:$0x3FFE];
	_ =	sdelay $0x1  }
0x8a: {  	s1 =	srdreg.scid  }
0x8b: {  	s0 =	sand.u32 $0x1, s1  }
0x8c: {  	s17 =	sshll.u32 s0, $0xA;
	s2 =	sadd.s32 s3, s2  }
0x8d: {  	s2 =	sadd.s32 s2, s17  }
0x8e: {  	[smem:$0x3FC5] =	sst s2  }
0x8f: {  	_ = 	snop  }
0x90: {  	s2 =	sld [smem:$0x3FD0];
	(tm) =	ssettm $0x1  }
0x91: {  	s18 =	sld [smem:$0x3FFB];
	_ =	sdelay $0x3  }
0x92: {  	_ =	strace s18  }
0x93: {  	s3 =	sld [smem:$0x3FFC];
	_ =	sdelay $0x3  }
0x94: {  	_ =	strace s3  }
0x95: {  	s3 =	sld [smem:$0x3FFD];
	_ =	sdelay $0x3  }
0x96: {  	_ =	strace s3  }
0x97: {  	_ =	strace $0x8FFFFFFF  }
0x98: {  	s19 =	sld [smem:$0x3FDB];
	_ =	sdelay $0x1  }
0x99: {  	s4 =	simm.s32 $_scs_section_size  }
0x9a: {  	s5 =	simm.s32 $_size__tile_overlayer_lowered;
	s6 =	simm.s32 $_tile_overlayer_lowered  }
0x9b: {  	s22 =	simm.s32 $0x1BFF;
	s21 =	sshll.u32 s6, $0x1;
	s3 =	sadd.s32 s4, s19  }
0x9c: {  	s7 =	simm.s32 $0x0;
	s20 =	sshll.u32 s5, $0x1;
	s5 =	sadd.s32 s21, s3  }
0x9d: {  	[timem:s7], [sflag:s22] =	dma.local [hbm:s5], s20  }
0x9e: {  	_ =	swait.ge [sflag:s22], s20  }
0x9f: {  	s4 =	ssub.s32 $0x0, s20;
	[sflag:s22] =	ssyncset.done $0x0  }
0xa0: {  	[sflag:s22] =	ssyncadd.s32 s4;
	_ =	sdelay $0x1  }
0xa1: {  	s23 =	simm.s32 $0x1B8B  }
0xa2: {  	_ =	swait.ge [sflag:s23], $0x1  }
0xa3: {  	[sflag:s23] =	ssyncset.done $0x0  }
0xa4: {  	s25 =	simm.s32 $0x1B8E;
	s24 =	sld [smem:$0x3FFE];
	[sflag:s23] =	ssyncadd.s32 $0xFFFFFFFF  }
0xa5: {  	s26 =	simm.s32 $execute0_lowered;
	[smem:$0x3FD2] =	sst s25  }
0xa6: {  	s5 =	sshll.u32 s26, $0x1;
	_ =	strace $0x80000046;
	[dreg:$0x1] =	wrdreg $0xFFFFFFFF  }
0xa7: {  	s28 =	simm.s32 $_size_execute0_lowered;
	s3 =	sadd.s32 s3, s5;
	[dreg:$0x0] =	wrdreg $0x0  }
0xa8: {  	s5 =	sshll.u32 s28, $0x1;
	[dreg:$0x2] =	wrdreg s3  }
0xa9: {  	[dreg:$0x3] =	wrdreg s5  }
0xaa: {  	[dreg:$0x4] =	wrdreg $0xC0  }
0xab: {  	_ =	task [dreg:s7], $0x5FFFF  }
0xac: {  	[dreg:$0x1] =	wrdreg $0xFFFFFFFF  }
0xad: {  	[dreg:$0x0] =	wrdreg $0x60  }
0xae: {  	[dreg:$0x2] =	wrdreg s24  }
0xaf: {  	[dreg:$0x3] =	wrdreg s2  }
0xb0: {  	[dreg:$0x4] =	wrdreg $0x9  }
0xb1: {  	_ =	task.clear_ibuf [dreg:s7], $0x5FFFF;
	_ =	strace $0x90000046  }
0xb2: {  	s29 =	simm.s32 $0x9;
	_ =	strace $0x80000048  }
0xb3: {  	_ =	swait.ge [sflag:s29], $0x1  }
0xb4: {  	[sflag:s29] =	ssyncadd.s32 $0xFFFFFFFF  }
0xb5: {  	_ =	strace $0x90000048  }
0xb6: {  	_ =	sfence  }
0xb7: {  	s30 =	sld [smem:$0x0];
	_ =	sdelay $0x2  }
0xb8: {  	s31 =	sshll.u32 s1, $0xD;
	s1 =	sshrl.u32 s1, $0x2  }
0xb9: {  	s3 =	sand.u32 $0x4000, s31;
	s1 =	sadd.s32 s1, s30  }
0xba: {  	s0 =	sor.u32 s3, s0;
	s1 =	sshll.u32 s1, $0x11  }
0xbb: {  	s0 =	sor.u32 s1, s0  }
0xbc: {  	s0 =	sadd.s32 $0x8F2B, s0  }
0xbd: {  	[sflag:s0] =	ssyncadd.remote.s32 $0x1  }
0xbe: {  	_ =	sfence.sel $0xFFFF  }
0xbf: {  	[dreg:$0x0] =	wrdreg $0xFFFFFFFF;
	(pc) =	sbr.abs _section_cstart, $3  }
0xc0: {  	[dreg:$0x1] =	wrdreg $0xFFFFFFFF  }
0xc1: {  	_ =	task.clear_ibuf [dreg:s7], $0x2FFFF;
	_ =	strace $0x9FFFFFFF  }
0xc2: {  	(tm) =	ssettm $0x7FFFFFFF  }
0xc3: {  	_ =	shalt  }
tec
execute0_lowered:
.L_overlay_start_1:
0x0: {  	(tag) =	ssettag $0x1  }
0x1: {  	s5 =	rddreg [dreg:$0x0]  }
0x2: {  	s1 =	rddreg [dreg:$0x1]  }
0x3: {  	s0 =	rddreg [dreg:$0x2];
	s2 =	simm.s32 $0x0;
	s3 =	srdreg.scid  }
0x4: {  	s10 =	simm.s32 $0x1;
	s11 =	simm.s32 $0x6720;
	s12 =	simm.s32 $0x0  }
0x5: {  	[smem:$0x7FF] =	sst s2;
	s6 =	sand.u32 $0x1, s3;
	s4 =	sadd.s32 $0x3D1000, s5  }
0x6: {  	s3 =	stileid.u32;
	s5 =	sadd.s32 $0x600, s5;
	s7 =	ssub.s32 $0x2, s6  }
0x7: {  	s9 =	sshll.u32 s3, $0x8;
	s6 =	sshll.u32 s6, $0x7;
	s8 =	sshrl.u32 s7, $0x1  }
0x8: {  	_ =	strace $0x80000047;
	s6 =	sor.u32 s6, s9;
	s7 =	ssub.s32 s7, s8  }
0x9: {  	s9 =	simm.s32 $0x320;
	s8 =	simm.s32 $0x2;
	s7 =	smax.u32 s7, $0x1  }
.LBB2_1:
0xa: {  	s13 =	simm.s32 $0x0  }
.LBB2_2:
0xb: {  	s14 =	sshll.u32 s13, $0x4  }
0xc: {  	s14 =	sadd.s32 s6, s14  }
0xd: {  	s15 =	smul.u32 $0x32, s14;
	_ =	sdelay $0x1  }
0xe: {  	s15 =	sshrl.u32 s15, $0x3  }
0xf: {  	s16 =	simm.s32 $0x0;
	s15 =	sadd.s32 s4, s15  }
0x10: {  	[tilespmem:s16], [sflag:$0x2] =	stream.linear.gather [hbm4b:s15+s16], $0x320, $0x38;
	[tilespmem:$0x6920] =	vst v63  }
0x11: {  	_ =	swait.ge [sflag:s8], $0x320  }
0x12: {  	[sflag:s8] =	ssyncset.done $0x0  }
0x13: {  	[sflag:s8] =	ssyncadd.s32 $0xFFFFFCE0  }
0x14: {  	[tilespmem:s9], [sflag:$0x1] =	stream.indirect.gather [hbm4b:s5+s9], $0x20, s16, s9, $0xb8;
	[tilespmem:$0x6920] =	vst v63  }
0x15: {  	_ =	swait.ge [sflag:s10], $0x6400  }
0x16: {  	[sflag:s10] =	ssyncset.done $0x0  }
0x17: {  	s15 =	simm.s32 $0x640;
	[sflag:s10] =	ssyncadd.s32 $0xFFFF9C00  }
0x18: {  	v18 =	vld [tilespmem:s15+$0xFFFFFD10]  }
0x19: {  	v19 =	vld [tilespmem:s15+$0xFFFFFCE0]  }
0x1a: {  	v0 =	vld [tilespmem:s15+$0x2F0]  }
0x1b: {  	v1 =	vld [tilespmem:s15+$0x310]  }
0x1c: {  	v3 =	vld [tilespmem:s15+$0x270]  }
0x1d: {  	v2 =	vld [tilespmem:s15+$0x2D0]  }
0x1e: {  	v5 =	vld [tilespmem:s15+$0x230]  }
0x1f: {  	v4 =	vld [tilespmem:s15+$0x290]  }
0x20: {  	v7 =	vld [tilespmem:s15+$0x1F0]  }
0x21: {  	v6 =	vld [tilespmem:s15+$0x250]  }
0x22: {  	v9 =	vld [tilespmem:s15+$0x1B0]  }
0x23: {  	v8 =	vld [tilespmem:s15+$0x210]  }
0x24: {  	v11 =	vld [tilespmem:s15+$0x170]  }
0x25: {  	v10 =	vld [tilespmem:s15+$0x1D0]  }
0x26: {  	v13 =	vld [tilespmem:s15+$0x130]  }
0x27: {  	v12 =	vld [tilespmem:s15+$0x190]  }
0x28: {  	v15 =	vld [tilespmem:s15+$0xF0]  }
0x29: {  	v14 =	vld [tilespmem:s15+$0x150]  }
0x2a: {  	v17 =	vld [tilespmem:s15+$0xB0]  }
0x2b: {  	v16 =	vld [tilespmem:s15+$0x110]  }
0x2c: {  	v20 =	vld [tilespmem:s15+$0x70]  }
0x2d: {  	v21 =	vld [tilespmem:s15+$0xD0]  }
0x2e: {  	v22 =	vld [tilespmem:s15+$0x30]  }
0x2f: {  	v23 =	vld [tilespmem:s15+$0x90]  }
0x30: {  	v24 =	vld [tilespmem:s15+$0xFFFFFFF0]  }
0x31: {  	v25 =	vld [tilespmem:s15+$0x50]  }
0x32: {  	v26 =	vld [tilespmem:s15+$0xFFFFFFB0]  }
0x33: {  	v27 =	vld [tilespmem:s15+$0x10]  }
0x34: {  	v28 =	vld [tilespmem:s15+$0xFFFFFF70]  }
0x35: {  	v29 =	vld [tilespmem:s15+$0xFFFFFFD0]  }
0x36: {  	v30 =	vld [tilespmem:s15+$0xFFFFFF30]  }
0x37: {  	v31 =	vld [tilespmem:s15+$0xFFFFFF90]  }
0x38: {  	v32 =	vld [tilespmem:s15+$0xFFFFFEF0]  }
0x39: {  	v33 =	vld [tilespmem:s15+$0xFFFFFF50]  }
0x3a: {  	v34 =	vld [tilespmem:s15+$0xFFFFFEB0]  }
0x3b: {  	v35 =	vld [tilespmem:s15+$0xFFFFFF10]  }
0x3c: {  	v36 =	vld [tilespmem:s15+$0xFFFFFE70]  }
0x3d: {  	v37 =	vld [tilespmem:s15+$0xFFFFFED0]  }
0x3e: {  	v38 =	vld [tilespmem:s15+$0xFFFFFE30]  }
0x3f: {  	v39 =	vld [tilespmem:s15+$0xFFFFFE90]  }
0x40: {  	v40 =	vld [tilespmem:s15+$0xFFFFFDF0]  }
0x41: {  	v41 =	vld [tilespmem:s15+$0xFFFFFD00]  }
0x42: {  	v42 =	vld [tilespmem:s15+$0xFFFFFE10]  }
0x43: {  	v43 =	vld [tilespmem:s15+$0xFFFFFE00]  }
0x44: {  	v44 =	vld [tilespmem:s15+$0xFFFFFE50]  }
0x45: {  	v45 =	vld [tilespmem:s15+$0xFFFFFDD0]  }
0x46: {  	v46 =	vld [tilespmem:s15+$0xFFFFFDC0]  }
0x47: {  	v47 =	vld [tilespmem:s15+$0xFFFFFD90]  }
0x48: {  	v48 =	vld [tilespmem:s15+$0xFFFFFD80]  }
0x49: {  	v49 =	vld [tilespmem:s15+$0xFFFFFD50]  }
0x4a: {  	v50 =	vld [tilespmem:s15+$0xFFFFFD40]  }
0x4b: {  	v51 =	vld [tilespmem:s15+$0xFFFFFCF0]  }
0x4c: {  	v52 =	vld [tilespmem:s15+$0xFFFFFD30]  }
0x4d: {  	v53 =	vld [tilespmem:s15+$0xFFFFFD20]  }
0x4e: {  	v54 =	vld [tilespmem:s15+$0xFFFFFD70]  }
0x4f: {  	v55 =	vld [tilespmem:s15+$0xFFFFFD60];
	v18 =	vadd.f32 $0.0e+00, v18;
	v41 =	vadd.f32 $0.0e+00, v41  }
0x50: {  	v56 =	vld [tilespmem:s15+$0xFFFFFDB0];
	v19 =	vadd.f32 $0.0e+00, v19;
	v51 =	vadd.f32 $0.0e+00, v51  }
0x51: {  	v61 =	vld [tilespmem:s15+$0xFFFFFDA0];
	v18 =	vadd.f32 v49, v18;
	v41 =	vadd.f32 v50, v41  }
0x52: {  	v63 =	vld [tilespmem:s15+$0xFFFFFE40];
	v19 =	vadd.f32 v53, v19;
	v62 =	vadd.f32 v52, v51  }
0x53: {  	v53 =	vld [tilespmem:s15+$0xFFFFFDE0];
	v18 =	vadd.f32 v47, v18;
	v41 =	vadd.f32 v48, v41  }
0x54: {  	v57 =	vld [tilespmem:s15+$0xFFFFFE80];
	v19 =	vadd.f32 v55, v19;
	v55 =	vadd.f32 v54, v62  }
0x55: {  	v58 =	vld [tilespmem:s15+$0xFFFFFE20];
	v41 =	vadd.f32 v46, v41;
	v18 =	vadd.f32 v45, v18  }
0x56: {  	v60 =	vld [tilespmem:s15+$0xFFFFFEC0];
	v19 =	vadd.f32 v61, v19;
	v59 =	vadd.f32 v56, v55  }
0x57: {  	v61 =	vld [tilespmem:s15+$0xFFFFFE60];
	v41 =	vadd.f32 v43, v41;
	v18 =	vadd.f32 v42, v18  }
0x58: {  	v49 =	vld [tilespmem:s15+$0xFFFFFF80];
	v19 =	vadd.f32 v53, v19;
	v40 =	vadd.f32 v40, v59  }
0x59: {  	v41 =	vadd.f32 v63, v41;
	v18 =	vadd.f32 v44, v18;
	v63 =	vld [tilespmem:s15+$0xFFFFFEA0]  }
0x5a: {  	v62 =	vld [tilespmem:s15+$0xFFFFFF00];
	v19 =	vadd.f32 v58, v19;
	v38 =	vadd.f32 v38, v40  }
0x5b: {  	v47 =	vld [tilespmem:s15+$0xFFFFFEE0];
	v41 =	vadd.f32 v57, v41;
	v18 =	vadd.f32 v39, v18  }
0x5c: {  	v46 =	vld [tilespmem:s15+$0xFFFFFF40];
	v19 =	vadd.f32 v61, v19;
	v36 =	vadd.f32 v36, v38  }
0x5d: {  	v50 =	vld [tilespmem:s15+$0xFFFFFF20];
	v41 =	vadd.f32 v60, v41;
	v18 =	vadd.f32 v37, v18  }
0x5e: {  	v51 =	vld [tilespmem:s15+$0xFFFFFFC0];
	v34 =	vadd.f32 v34, v36;
	v19 =	vadd.f32 v63, v19  }
0x5f: {  	v52 =	vld [tilespmem:s15+$0xFFFFFF60];
	v41 =	vadd.f32 v62, v41;
	v18 =	vadd.f32 v35, v18  }
0x60: {  	v55 =	vld [tilespmem:s15+$0xFFFFFFA0];
	v32 =	vadd.f32 v32, v34;
	v19 =	vadd.f32 v47, v19  }
0x61: {  	v56 =	vld [tilespmem:s15+$0x40];
	v54 =	vadd.f32 v46, v41;
	v18 =	vadd.f32 v33, v18  }
0x62: {  	v53 =	vld [tilespmem:s15+$0x0];
	v30 =	vadd.f32 v30, v32;
	v19 =	vadd.f32 v50, v19  }
0x63: {  	v58 =	vld [tilespmem:s15+$0xFFFFFFE0];
	v57 =	vadd.f32 v49, v54;
	v18 =	vadd.f32 v31, v18  }
0x64: {  	v59 =	vld [tilespmem:s15+$0x80];
	v28 =	vadd.f32 v28, v30;
	v19 =	vadd.f32 v52, v19  }
0x65: {  	v61 =	vld [tilespmem:s15+$0x20];
	v60 =	vadd.f32 v51, v57;
	v18 =	vadd.f32 v29, v18  }
0x66: {  	v43 =	vld [tilespmem:s15+$0x120];
	v26 =	vadd.f32 v26, v28;
	v19 =	vadd.f32 v55, v19  }
0x67: {  	v34 =	vld [tilespmem:s15+$0x60];
	v63 =	vadd.f32 v53, v60;
	v18 =	vadd.f32 v27, v18  }
0x68: {  	v62 =	vld [tilespmem:s15+$0xC0];
	v24 =	vadd.f32 v24, v26;
	v19 =	vadd.f32 v58, v19  }
0x69: {  	v37 =	vld [tilespmem:s15+$0xA0];
	v36 =	vadd.f32 v56, v63;
	v18 =	vadd.f32 v25, v18  }
0x6a: {  	v35 =	vld [tilespmem:s15+$0x100];
	v22 =	vadd.f32 v22, v24;
	v19 =	vadd.f32 v61, v19  }
0x6b: {  	v40 =	vld [tilespmem:s15+$0xE0];
	v39 =	vadd.f32 v59, v36;
	v18 =	vadd.f32 v23, v18  }
0x6c: {  	v38 =	vld [tilespmem:s15+$0x140];
	v20 =	vadd.f32 v20, v22;
	v19 =	vadd.f32 v34, v19  }
0x6d: {  	v44 =	vld [tilespmem:s15+$0x1C0];
	v42 =	vadd.f32 v62, v39;
	v18 =	vadd.f32 v21, v18  }
0x6e: {  	v41 =	vld [tilespmem:s15+$0x180];
	v17 =	vadd.f32 v17, v20;
	v19 =	vadd.f32 v37, v19  }
0x6f: {  	v46 =	vld [tilespmem:s15+$0x160];
	v45 =	vadd.f32 v35, v42;
	v16 =	vadd.f32 v16, v18  }
0x70: {  	v47 =	vld [tilespmem:s15+$0x200];
	v15 =	vadd.f32 v15, v17;
	v19 =	vadd.f32 v40, v19  }
0x71: {  	v49 =	vld [tilespmem:s15+$0x1A0];
	v48 =	vadd.f32 v38, v45;
	v14 =	vadd.f32 v14, v16  }
0x72: {  	v50 =	vld [tilespmem:s15+$0x240];
	v13 =	vadd.f32 v13, v15;
	v19 =	vadd.f32 v43, v19  }
0x73: {  	v52 =	vld [tilespmem:s15+$0x1E0];
	v51 =	vadd.f32 v41, v48;
	v12 =	vadd.f32 v12, v14  }
0x74: {  	v57 =	vld [tilespmem:s15+$0x260];
	v11 =	vadd.f32 v11, v13;
	v18 =	vadd.f32 v46, v19  }
0x75: {  	v55 =	vld [tilespmem:s15+$0x220];
	v54 =	vadd.f32 v44, v51;
	v10 =	vadd.f32 v10, v12  }
0x76: {  	v53 =	vld [tilespmem:s15+$0x280];
	v9 =	vadd.f32 v9, v11;
	v16 =	vadd.f32 v49, v18  }
0x77: {  	v58 =	vld [tilespmem:s15+$0x2B0];
	v17 =	vadd.f32 v47, v54;
	v8 =	vadd.f32 v8, v10  }
0x78: {  	v56 =	vld [tilespmem:s15+$0x2C0];
	v7 =	vadd.f32 v7, v9;
	v14 =	vadd.f32 v52, v16  }
0x79: {  	v59 =	vld [tilespmem:s15+$0x2A0];
	v15 =	vadd.f32 v50, v17;
	v6 =	vadd.f32 v6, v8  }
0x7a: {  	v60 =	vld [tilespmem:s15+$0x300];
	v5 =	vadd.f32 v5, v7;
	v12 =	vadd.f32 v55, v14  }
0x7b: {  	v61 =	vld [tilespmem:s15+$0x2E0];
	v13 =	vadd.f32 v53, v15;
	v4 =	vadd.f32 v4, v6  }
0x7c: {  	v3 =	vadd.f32 v3, v5;
	v10 =	vadd.f32 v57, v12  }
0x7d: {  	v62 =	vadd.f32 v56, v13;
	v2 =	vadd.f32 v2, v4  }
0x7e: {  	v3 =	vadd.f32 v58, v3;
	v63 =	vadd.f32 v59, v10  }
0x7f: {  	v5 =	vadd.f32 v60, v62;
	v2 =	vadd.f32 v1, v2  }
0x80: {  	v0 =	vadd.f32 v0, v3;
	v1 =	vadd.f32 v61, v63;
	_ =	sdelay $0x1  }
0x81: {  	s18 =	simm.s32 $0x0;
	s16 =	simm.s32 $0x80;
	v0 =	vadd.f32 v2, v0;
	v1 =	vadd.f32 v5, v1  }
.LBB2_3:
0x82: {  	p0 =	sne.s32 s16, $0x780  }
0x83: {  	[tilespmem:s18+$0x6720] =	vst v1;
	s15 =	sadd.s32 $0x640, s15;
	s17 =	smov.u32 s16;
	s16 =	sadd.s32 $0x80, s16  }
0x84: {  	[tilespmem:s18+$0x6730] =	vst v0  }
0x85: {  	v29 =	vld [tilespmem:s15+$0xFFFFFD10]  }
0x86: {  	v30 =	vld [tilespmem:s15+$0xFFFFFCE0]  }
0x87: {  	v0 =	vld [tilespmem:s15+$0x2F0]  }
0x88: {  	v1 =	vld [tilespmem:s15+$0x310]  }
0x89: {  	v2 =	vld [tilespmem:s15+$0x270]  }
0x8a: {  	v3 =	vld [tilespmem:s15+$0x2D0]  }
0x8b: {  	v4 =	vld [tilespmem:s15+$0x230]  }
0x8c: {  	v5 =	vld [tilespmem:s15+$0x290]  }
0x8d: {  	v6 =	vld [tilespmem:s15+$0x1F0]  }
0x8e: {  	v7 =	vld [tilespmem:s15+$0x250]  }
0x8f: {  	v8 =	vld [tilespmem:s15+$0x1B0]  }
0x90: {  	v9 =	vld [tilespmem:s15+$0x210]  }
0x91: {  	v10 =	vld [tilespmem:s15+$0x170]  }
0x92: {  	v11 =	vld [tilespmem:s15+$0x1D0]  }
0x93: {  	v12 =	vld [tilespmem:s15+$0x130]  }
0x94: {  	v13 =	vld [tilespmem:s15+$0x190]  }
0x95: {  	v14 =	vld [tilespmem:s15+$0xF0]  }
0x96: {  	v15 =	vld [tilespmem:s15+$0x150]  }
0x97: {  	v16 =	vld [tilespmem:s15+$0xB0]  }
0x98: {  	v17 =	vld [tilespmem:s15+$0x110]  }
0x99: {  	v18 =	vld [tilespmem:s15+$0x70]  }
0x9a: {  	v19 =	vld [tilespmem:s15+$0xD0]  }
0x9b: {  	v20 =	vld [tilespmem:s15+$0x30]  }
0x9c: {  	v21 =	vld [tilespmem:s15+$0x90]  }
0x9d: {  	v22 =	vld [tilespmem:s15+$0xFFFFFFF0]  }
0x9e: {  	v23 =	vld [tilespmem:s15+$0x50]  }
0x9f: {  	v24 =	vld [tilespmem:s15+$0xFFFFFFB0]  }
0xa0: {  	v25 =	vld [tilespmem:s15+$0x10]  }
0xa1: {  	v26 =	vld [tilespmem:s15+$0xFFFFFF70]  }
0xa2: {  	v27 =	vld [tilespmem:s15+$0xFFFFFFD0]  }
0xa3: {  	v28 =	vld [tilespmem:s15+$0xFFFFFF30]  }
0xa4: {  	v31 =	vld [tilespmem:s15+$0xFFFFFF90]  }
0xa5: {  	v32 =	vld [tilespmem:s15+$0xFFFFFEF0]  }
0xa6: {  	v33 =	vld [tilespmem:s15+$0xFFFFFF50]  }
0xa7: {  	v34 =	vld [tilespmem:s15+$0xFFFFFEB0]  }
0xa8: {  	v35 =	vld [tilespmem:s15+$0xFFFFFF10]  }
0xa9: {  	v36 =	vld [tilespmem:s15+$0xFFFFFE70]  }
0xaa: {  	v37 =	vld [tilespmem:s15+$0xFFFFFED0]  }
0xab: {  	v38 =	vld [tilespmem:s15+$0xFFFFFE30]  }
0xac: {  	v39 =	vld [tilespmem:s15+$0xFFFFFE90]  }
0xad: {  	v40 =	vld [tilespmem:s15+$0xFFFFFDF0]  }
0xae: {  	v41 =	vld [tilespmem:s15+$0xFFFFFD00]  }
0xaf: {  	v42 =	vld [tilespmem:s15+$0xFFFFFE10]  }
0xb0: {  	v43 =	vld [tilespmem:s15+$0xFFFFFE00]  }
0xb1: {  	v44 =	vld [tilespmem:s15+$0xFFFFFE50]  }
0xb2: {  	v45 =	vld [tilespmem:s15+$0xFFFFFDD0]  }
0xb3: {  	v46 =	vld [tilespmem:s15+$0xFFFFFDC0]  }
0xb4: {  	v47 =	vld [tilespmem:s15+$0xFFFFFD90]  }
0xb5: {  	v48 =	vld [tilespmem:s15+$0xFFFFFD80]  }
0xb6: {  	v49 =	vld [tilespmem:s15+$0xFFFFFD50]  }
0xb7: {  	v50 =	vld [tilespmem:s15+$0xFFFFFD40]  }
0xb8: {  	v51 =	vld [tilespmem:s15+$0xFFFFFCF0]  }
0xb9: {  	v29 =	vadd.f32 $0.0e+00, v29;
	v52 =	vld [tilespmem:s15+$0xFFFFFD30]  }
0xba: {  	v41 =	vadd.f32 $0.0e+00, v41;
	v53 =	vld [tilespmem:s15+$0xFFFFFD20]  }
0xbb: {  	v29 =	vadd.f32 v49, v29;
	v49 =	vld [tilespmem:s15+$0xFFFFFD70]  }
0xbc: {  	v30 =	vadd.f32 $0.0e+00, v30;
	v41 =	vadd.f32 v50, v41;
	v50 =	vld [tilespmem:s15+$0xFFFFFD60]  }
0xbd: {  	v51 =	vadd.f32 $0.0e+00, v51;
	v29 =	vadd.f32 v47, v29;
	v47 =	vld [tilespmem:s15+$0xFFFFFDB0]  }
0xbe: {  	v41 =	vadd.f32 v48, v41;
	v48 =	vld [tilespmem:s15+$0xFFFFFDA0]  }
0xbf: {  	v30 =	vadd.f32 v53, v30;
	v51 =	vadd.f32 v52, v51;
	v52 =	vld [tilespmem:s15+$0xFFFFFE40]  }
0xc0: {  	v29 =	vadd.f32 v45, v29;
	v41 =	vadd.f32 v46, v41;
	v45 =	vld [tilespmem:s15+$0xFFFFFDE0]  }
0xc1: {  	v30 =	vadd.f32 v50, v30;
	v46 =	vadd.f32 v49, v51;
	v49 =	vld [tilespmem:s15+$0xFFFFFE80]  }
0xc2: {  	v29 =	vadd.f32 v42, v29;
	v41 =	vadd.f32 v43, v41;
	v42 =	vld [tilespmem:s15+$0xFFFFFE20]  }
0xc3: {  	v30 =	vadd.f32 v48, v30;
	v43 =	vadd.f32 v47, v46;
	v46 =	vld [tilespmem:s15+$0xFFFFFEC0]  }
0xc4: {  	v29 =	vadd.f32 v44, v29;
	v41 =	vadd.f32 v52, v41;
	v44 =	vld [tilespmem:s15+$0xFFFFFE60]  }
0xc5: {  	v30 =	vadd.f32 v45, v30;
	v40 =	vadd.f32 v40, v43;
	v43 =	vld [tilespmem:s15+$0xFFFFFF00]  }
0xc6: {  	v29 =	vadd.f32 v39, v29;
	v41 =	vadd.f32 v49, v41;
	v39 =	vld [tilespmem:s15+$0xFFFFFEA0]  }
0xc7: {  	v30 =	vadd.f32 v42, v30;
	v38 =	vadd.f32 v38, v40;
	v40 =	vld [tilespmem:s15+$0xFFFFFF40]  }
0xc8: {  	v29 =	vadd.f32 v37, v29;
	v41 =	vadd.f32 v46, v41;
	v37 =	vld [tilespmem:s15+$0xFFFFFEE0]  }
0xc9: {  	v30 =	vadd.f32 v44, v30;
	v36 =	vadd.f32 v36, v38;
	v38 =	vld [tilespmem:s15+$0xFFFFFF80]  }
0xca: {  	v29 =	vadd.f32 v35, v29;
	v41 =	vadd.f32 v43, v41;
	v35 =	vld [tilespmem:s15+$0xFFFFFF20]  }
0xcb: {  	v30 =	vadd.f32 v39, v30;
	v34 =	vadd.f32 v34, v36;
	v36 =	vld [tilespmem:s15+$0xFFFFFFC0]  }
0xcc: {  	v29 =	vadd.f32 v33, v29;
	v39 =	vadd.f32 v40, v41;
	v33 =	vld [tilespmem:s15+$0xFFFFFF60]  }
0xcd: {  	v30 =	vadd.f32 v37, v30;
	v32 =	vadd.f32 v32, v34;
	v34 =	vld [tilespmem:s15+$0x0]  }
0xce: {  	v29 =	vadd.f32 v31, v29;
	v37 =	vadd.f32 v38, v39;
	v31 =	vld [tilespmem:s15+$0xFFFFFFA0]  }
0xcf: {  	v30 =	vadd.f32 v35, v30;
	v28 =	vadd.f32 v28, v32;
	v32 =	vld [tilespmem:s15+$0x40]  }
0xd0: {  	v27 =	vadd.f32 v27, v29;
	v35 =	vadd.f32 v36, v37;
	v29 =	vld [tilespmem:s15+$0xFFFFFFE0]  }
0xd1: {  	v30 =	vadd.f32 v33, v30;
	v26 =	vadd.f32 v26, v28;
	v28 =	vld [tilespmem:s15+$0x80]  }
0xd2: {  	v25 =	vadd.f32 v25, v27;
	v33 =	vadd.f32 v34, v35;
	v27 =	vld [tilespmem:s15+$0x20]  }
0xd3: {  	v30 =	vadd.f32 v31, v30;
	v24 =	vadd.f32 v24, v26;
	v26 =	vld [tilespmem:s15+$0xC0]  }
0xd4: {  	v23 =	vadd.f32 v23, v25;
	v31 =	vadd.f32 v32, v33;
	v25 =	vld [tilespmem:s15+$0x60]  }
0xd5: {  	v29 =	vadd.f32 v29, v30;
	v22 =	vadd.f32 v22, v24;
	v24 =	vld [tilespmem:s15+$0x100]  }
0xd6: {  	v21 =	vadd.f32 v21, v23;
	v28 =	vadd.f32 v28, v31;
	v23 =	vld [tilespmem:s15+$0xA0]  }
0xd7: {  	v27 =	vadd.f32 v27, v29;
	v20 =	vadd.f32 v20, v22;
	v22 =	vld [tilespmem:s15+$0x140]  }
0xd8: {  	v19 =	vadd.f32 v19, v21;
	v26 =	vadd.f32 v26, v28;
	v21 =	vld [tilespmem:s15+$0xE0]  }
0xd9: {  	v25 =	vadd.f32 v25, v27;
	v18 =	vadd.f32 v18, v20;
	v20 =	vld [tilespmem:s15+$0x180]  }
0xda: {  	v17 =	vadd.f32 v17, v19;
	v24 =	vadd.f32 v24, v26;
	v19 =	vld [tilespmem:s15+$0x120]  }
0xdb: {  	v23 =	vadd.f32 v23, v25;
	v16 =	vadd.f32 v16, v18;
	v18 =	vld [tilespmem:s15+$0x1C0]  }
0xdc: {  	v15 =	vadd.f32 v15, v17;
	v22 =	vadd.f32 v22, v24;
	v17 =	vld [tilespmem:s15+$0x160]  }
0xdd: {  	v21 =	vadd.f32 v21, v23;
	v14 =	vadd.f32 v14, v16;
	v16 =	vld [tilespmem:s15+$0x200]  }
0xde: {  	v13 =	vadd.f32 v13, v15;
	v20 =	vadd.f32 v20, v22;
	v15 =	vld [tilespmem:s15+$0x1A0]  }
0xdf: {  	v19 =	vadd.f32 v19, v21;
	v12 =	vadd.f32 v12, v14;
	v14 =	vld [tilespmem:s15+$0x240]  }
0xe0: {  	v11 =	vadd.f32 v11, v13;
	v18 =	vadd.f32 v18, v20;
	v13 =	vld [tilespmem:s15+$0x1E0]  }
0xe1: {  	v17 =	vadd.f32 v17, v19;
	v10 =	vadd.f32 v10, v12;
	v12 =	vld [tilespmem:s15+$0x280]  }
0xe2: {  	v9 =	vadd.f32 v9, v11;
	v16 =	vadd.f32 v16, v18;
	v11 =	vld [tilespmem:s15+$0x220]  }
0xe3: {  	v15 =	vadd.f32 v15, v17;
	v8 =	vadd.f32 v8, v10;
	v10 =	vld [tilespmem:s15+$0x2C0]  }
0xe4: {  	v7 =	vadd.f32 v7, v9;
	v14 =	vadd.f32 v14, v16;
	v9 =	vld [tilespmem:s15+$0x260]  }
0xe5: {  	v13 =	vadd.f32 v13, v15;
	v6 =	vadd.f32 v6, v8;
	v8 =	vld [tilespmem:s15+$0x2B0]  }
0xe6: {  	v5 =	vadd.f32 v5, v7;
	v12 =	vadd.f32 v12, v14;
	v7 =	vld [tilespmem:s15+$0x2A0]  }
0xe7: {  	v11 =	vadd.f32 v11, v13;
	v4 =	vadd.f32 v4, v6;
	v6 =	vld [tilespmem:s15+$0x300]  }
0xe8: {  	v3 =	vadd.f32 v3, v5;
	v10 =	vadd.f32 v10, v12;
	v5 =	vld [tilespmem:s15+$0x2E0]  }
0xe9: {  	v9 =	vadd.f32 v9, v11;
	v2 =	vadd.f32 v2, v4;
	_ =	sdelay $0x1  }
0xea: {  	v4 =	vadd.f32 v7, v9;
	v2 =	vadd.f32 v8, v2  }
.Ltmp0:
0xeb: {  	v3 =	vadd.f32 v1, v3;
	v6 =	vadd.f32 v6, v10;
	(pc) =	sbr.rel @p0 .LBB2_3-.Ltmp0, $3  }
0xec: {  	v1 =	vadd.f32 v5, v4;
	v0 =	vadd.f32 v0, v2;
	_ =	sdelay $0x1  }
0xed: {  	v1 =	vadd.f32 v6, v1;
	v0 =	vadd.f32 v3, v0  }
0xee: {  	s18 =	sshra.s32 s17, $0x2  }
0xef: {  	s13 =	sadd.s32 $0x1, s13  }
0xf0: {  	[tilespmem:s18+$0x6720] =	vst v1;
	s14 =	sshll.u32 s14, $0x2;
	p0 =	sne.s32 s13, $0x8  }
.Ltmp1:
0xf1: {  	[tilespmem:s18+$0x6730] =	vst v0;
	s14 =	sadd.s32 s1, s14;
	(pc) =	sbr.rel @p0 .LBB2_2-.Ltmp1, $4  }
0xf2: {  	[hbm4b:s14+s2] =	stream.linear.scatter [tilespmem:s11], [sflag:$0x2], $0x200, $0x38;
	[tilespmem:$0x6920] =	vst v63  }
0xf3: {  	_ =	swait.ge [sflag:s8], $0x200  }
0xf4: {  	[sflag:s8] =	ssyncset.done $0x0  }
0xf5: {  	[sflag:s8] =	ssyncadd.s32 $0xFFFFFE00  }
0xf6: {  	s12 =	sadd.s32 $0x1, s12  }
0xf7: {  	p0 =	sne.s32 s12, s7  }
.Ltmp2:
0xf8: {  	_ = 	snop;
	(pc) =	sbr.rel @p0 .LBB2_1-.Ltmp2, $1  }
0xf9: {  	_ =	sdelay $0x3  }
0xfa: {  	_ =	sfence.sel $0x180000  }
0xfb: {  	[bflag:$0x0] =	sbarrier.arrive $0xFFFF  }
0xfc: {  	p0 =	sne.s32 s3, $0x0;
	_ =	strace $0x90000047  }
0xfd: {  	s0 =	sadd.s32 @!p0 $0x100000, s0;
	[bflag:$0x2] =	sbarrier.arrive $0xFFFF  }
0xfe: {  	[sflag:s0] =	ssyncadd.tile.s32 @!p0 $0x1;
	_ =	shalt  }
.Lfunc_end2:
_tile_overlayer_lowered:
.L_overlay_start_2:
0xff: {  	(tag) =	ssettag $0x2  }
0x100: {  	s0 =	rddreg [dreg:$0x0];
	s2 =	stileid.u32  }
0x101: {  	s1 =	rddreg [dreg:$0x1];
	p0 =	sne.s32 s2, $0x0  }
0x102: {  	s3 =	rddreg [dreg:$0x2];
	[bflag:$0x3] =	sbarrier.arrive $0xFFFF;
	s2 =	simm.s32 @!p0 $0x1C02  }
0x103: {  	[timem:s3], [sflag:s2] =	dma.local @!p0 [hbm:s0], s1  }
0x104: {  	s0 =	simm.s32 @!p0 $0x2  }
0x105: {  	_ =	swait.ge @!p0 [sflag:s0], s1  }
0x106: {  	s1 =	ssub.s32 @!p0 $0x0, s1;
	[sflag:s0] =	ssyncset.done @!p0 $0x0  }
0x107: {  	[sflag:s0] =	ssyncadd.s32 @!p0 s1  }
0x108: {  	[bflag:$0x3] =	sbarrier.arrive $0xFFFF  }
0x109: {  	_ =	shalt  }

</sc_bundles>
